<compile_context>
chip_gen: v7x
topology: tpu7x:2x2x1
jax: 0.10.2.dev20260603
libtpu: 0.0.44.dev20260713+nightly
codegen_flags: <defaults>
</compile_context>

<pallas_src>
import jax
import jax.numpy as jnp
from jax import lax
from jax.experimental import pallas as pl
from jax.experimental.pallas import tpu as pltpu
from jax.experimental.pallas import tpu_sc as plsc

NC = 2
NS = 16
NW = NC * NS
LANES = 16

BATCH = 16384
EMBED_DIM = 64
SLAB = 8
B_PER_W = BATCH // NW
CHUNK = 128
N_CHUNKS = B_PER_W // CHUNK
RCH = 32
NRND = B_PER_W // RCH


def _mf_body(uorig_ref, iorig_ref, uemb_ref, iemb_ref, gb_ref, ubias_ref,
             ibias_ref, out_ref,
             idxo_u, idxo_i, u_slabs, i_slabs, ub_v, ib_v, gb_v, out_v,
             sem, bsem):
    wid = lax.axis_index("s") * NC + lax.axis_index("c")

    pltpu.sync_copy(uorig_ref.at[wid], idxo_u)
    pltpu.sync_copy(iorig_ref.at[wid], idxo_i)
    pltpu.sync_copy(gb_ref, gb_v)

    bias_copies = []
    for c in range(N_CHUNKS):
        sl = pl.ds(c * CHUNK, CHUNK)
        bias_copies.append(
            pltpu.async_copy(ubias_ref.at[idxo_u.at[c]], ub_v.at[sl], bsem))
        bias_copies.append(
            pltpu.async_copy(ibias_ref.at[idxo_i.at[c]], ib_v.at[sl], bsem))
    for cp in bias_copies:
        cp.wait()

    lane = lax.iota(jnp.int32, LANES)
    gb_vec = gb_v[...]

    def round_body(r, _):
        def enq_group(g, _):
            base = r * RCH + g * LANES
            iu = idxo_u[base >> 7, pl.ds(base & 127, LANES)]
            ii = idxo_i[base >> 7, pl.ds(base & 127, LANES)]
            su_vec = iu >> 3
            si_vec = (ii >> 3) * SLAB
            for t in range(LANES):
                e_loc = g * LANES + t
                pltpu.async_copy(uemb_ref.at[su_vec[t]], u_slabs.at[e_loc],
                                 sem)
                si = pl.multiple_of(si_vec[t], SLAB)
                pltpu.async_copy(iemb_ref.at[pl.ds(si, SLAB)],
                                 i_slabs.at[e_loc], sem)
            return 0

        lax.fori_loop(0, RCH // LANES, enq_group, 0)

        pltpu.make_async_copy(uemb_ref.at[pl.ds(0, RCH)], u_slabs, sem).wait()
        pltpu.make_async_copy(uemb_ref.at[pl.ds(0, RCH)], i_slabs, sem).wait()

        def group(g, _):
            base = r * RCH + g * LANES
            iu = idxo_u[base >> 7, pl.ds(base & 127, LANES)]
            ii = idxo_i[base >> 7, pl.ds(base & 127, LANES)]
            urow = iu & 7
            irow = ii & 7
            p_vec = g * LANES + lane

            def dot_step(j, acc):
                col = (j & 48) + ((lane + j) & 15)
                u = plsc.load_gather(u_slabs, [p_vec, urow, col])
                v = plsc.load_gather(i_slabs, [p_vec, irow, col])
                return acc + u * v

            acc0 = gb_vec + ub_v[pl.ds(base, LANES)] + ib_v[pl.ds(base, LANES)]
            acc = lax.fori_loop(0, EMBED_DIM, dot_step, acc0)
            out_v[pl.ds(base, LANES)] = acc
            return 0

        lax.fori_loop(0, RCH // LANES, group, 0)
        return 0

    lax.fori_loop(0, NRND, round_body, 0)

    pltpu.sync_copy(out_v, out_ref.at[wid])


@jax.jit
def _mf_sc(uorig3, iorig3, uemb3, iemb3, gb16, user_bias, item_bias):
    mesh = plsc.VectorSubcoreMesh(core_axis_name="c", subcore_axis_name="s")
    k = pl.kernel(
        _mf_body,
        out_type=jax.ShapeDtypeStruct((NW, B_PER_W), jnp.float32),
        mesh=mesh,
        compiler_params=pltpu.CompilerParams(needs_layout_passes=False),
        scratch_types=[
            pltpu.VMEM((N_CHUNKS, CHUNK), jnp.int32),
            pltpu.VMEM((N_CHUNKS, CHUNK), jnp.int32),
            pltpu.VMEM((RCH, SLAB, EMBED_DIM), jnp.float32),
            pltpu.VMEM((RCH, SLAB, EMBED_DIM), jnp.float32),
            pltpu.VMEM((B_PER_W,), jnp.float32),
            pltpu.VMEM((B_PER_W,), jnp.float32),
            pltpu.VMEM((LANES,), jnp.float32),
            pltpu.VMEM((B_PER_W,), jnp.float32),
            pltpu.SemaphoreType.DMA,
            pltpu.SemaphoreType.DMA,
        ],
    )
    return k(uorig3, iorig3, uemb3, iemb3, gb16, user_bias, item_bias)


def kernel(user, item, user_emb, item_emb, global_bias, user_bias, item_bias):
    uorig3 = user.reshape(NW, N_CHUNKS, CHUNK)
    iorig3 = item.reshape(NW, N_CHUNKS, CHUNK)
    uemb3 = user_emb.reshape(-1, SLAB, EMBED_DIM)
    gb16 = jnp.broadcast_to(global_bias, (LANES,))
    out = _mf_sc(uorig3, iorig3, uemb3, item_emb, gb16, user_bias, item_bias)
    return out.reshape(BATCH)

# --- scband reference (transcript-rebuilt; emitter-appended) ---
"""Pipeline reference for scband-simple-mfbias-model-36627481100934 (READ-ONLY COPY).

The authoritative reference and input builder live on the scoring server;
editing this copy changes nothing except your own understanding.
"""

import jax, jax.numpy as jnp
import numpy as np

N_USERS = 1000000
N_ITEMS = 1000000
EMBED_DIM = 64
BATCH = 16384


def setup_inputs(seed: int = 0) -> dict:
    key = jax.random.key(seed)
    k_user, k_item, k_ue, k_ie, k_gb, k_ub, k_ib = jax.random.split(key, 7)
    user = jax.random.randint(k_user, (BATCH,), 0, N_USERS, dtype=jnp.int64 if jax.config.jax_enable_x64 else jnp.int32).astype(jnp.int32)
    item = jax.random.randint(k_item, (BATCH,), 0, N_ITEMS, dtype=jnp.int32)
    user_emb = jax.random.normal(k_ue, (N_USERS, EMBED_DIM), dtype=jnp.float32)
    item_emb = jax.random.normal(k_ie, (N_ITEMS, EMBED_DIM), dtype=jnp.float32)
    global_bias = jax.random.normal(k_gb, (1,), dtype=jnp.float32)
    user_bias = jax.random.normal(k_ub, (N_USERS,), dtype=jnp.float32)
    item_bias = jax.random.normal(k_ib, (N_ITEMS,), dtype=jnp.float32)
    return {
        "user": user,
        "item": item,
        "user_emb": user_emb,
        "item_emb": item_emb,
        "global_bias": global_bias,
        "user_bias": user_bias,
        "item_bias": item_bias,
    }


def reference(user, item, user_emb, item_emb, global_bias, user_bias, item_bias):
    # prediction = global_bias + user_bias[user] + item_bias[item]
    prediction = global_bias + jnp.take(user_bias, user, axis=0) + jnp.take(item_bias, item, axis=0)
    # batch dot of embedding rows: einsum('ki,ki->k', u, v)
    u = jnp.take(user_emb, user, axis=0)
    v = jnp.take(item_emb, item, axis=0)
    prediction = prediction + jnp.einsum('ki,ki->k', u, v)
    return prediction

if __name__ == "__main__":
    import jax
    _d = setup_inputs()
    print(jax.jit(kernel)(*tuple(_d.values())))

</pallas_src>

<mosaic_0001>
#map = affine_map<(d0, d1) -> (0, 0, 0)>
#map1 = affine_map<(d0, d1) -> (0, 0)>
#map2 = affine_map<(d0, d1) -> (0)>
module attributes {stable_mosaic.version = 14 : i64} {
  func.func @_mf_body(%arg0: i32, %arg1: i32, %arg2: memref<32x4x128xi32, #tpu.memory_space<hbm>>, %arg3: memref<32x4x128xi32, #tpu.memory_space<hbm>>, %arg4: memref<125000x8x64xf32, #tpu.memory_space<hbm>>, %arg5: memref<1000000x64xf32, #tpu.memory_space<hbm>>, %arg6: memref<16xf32, #tpu.memory_space<hbm>>, %arg7: memref<1000000xf32, #tpu.memory_space<hbm>>, %arg8: memref<1000000xf32, #tpu.memory_space<hbm>>, %arg9: memref<32x512xf32, #tpu.memory_space<hbm>>, %arg10: memref<4x128xi32, #tpu.memory_space<vmem>>, %arg11: memref<4x128xi32, #tpu.memory_space<vmem>>, %arg12: memref<32x8x64xf32, #tpu.memory_space<vmem>>, %arg13: memref<32x8x64xf32, #tpu.memory_space<vmem>>, %arg14: memref<512xf32, #tpu.memory_space<vmem>>, %arg15: memref<512xf32, #tpu.memory_space<vmem>>, %arg16: memref<16xf32, #tpu.memory_space<vmem>>, %arg17: memref<512xf32, #tpu.memory_space<vmem>>, %arg18: memref<!tpu.dma_semaphore, #tpu.memory_space<semaphore_mem>>, %arg19: memref<!tpu.dma_semaphore, #tpu.memory_space<semaphore_mem>>) attributes {dimension_semantics = [#tpu.dimension_semantics<core_parallel>, #tpu.dimension_semantics<subcore_parallel>], iteration_bounds = array<i64: 2, 16>, scalar_prefetch = 0 : i64, scratch_operands = 10 : i64, tpu.core_type = #tpu.core_type<sc_vector_subcore>, window_params = [{transform_indices = #map}, {transform_indices = #map}, {transform_indices = #map}, {transform_indices = #map1}, {transform_indices = #map2}, {transform_indices = #map2}, {transform_indices = #map2}, {transform_indices = #map1}]} {
    %mul3A = arith.constant 2 : i32
    %mul3A_0 = arith.muli %arg1, %mul3A : i32
    %add3A = arith.addi %mul3A_0, %arg0 : i32
    "tpu.region"() ({
      %run_scoped3A = tpu.sem_alloc : memref<!tpu.dma_semaphore, #tpu.memory_space<semaphore_mem>>
      %dma_start3A_134 = arith.constant 0 : i32
      %dma_start3A_135 = arith.constant 0 : i32
      %dma_start3A_136 = tpu.memref_slice %arg2[%add3A, %dma_start3A_134, %dma_start3A_135] : memref<32x4x128xi32, #tpu.memory_space<hbm>> -> memref<1x4x128xi32, #tpu.memory_space<hbm>>
      %dma_start3A_137 = tpu.memref_squeeze %dma_start3A_136 : memref<1x4x128xi32, #tpu.memory_space<hbm>> -> memref<4x128xi32, #tpu.memory_space<hbm>>
      %dma_start3A_138 = arith.constant 0 : i32
      %dma_start3A_139 = arith.constant 0 : i32
      %dma_start3A_140 = tpu.memref_slice %arg2[%add3A, %dma_start3A_138, %dma_start3A_139] : memref<32x4x128xi32, #tpu.memory_space<hbm>> -> memref<1x4x128xi32, #tpu.memory_space<hbm>>
      %dma_start3A_141 = tpu.memref_squeeze %dma_start3A_140 : memref<1x4x128xi32, #tpu.memory_space<hbm>> -> memref<4x128xi32, #tpu.memory_space<hbm>>
      tpu.enqueue_dma source(%dma_start3A_141 : memref<4x128xi32, #tpu.memory_space<hbm>>) target(%arg10 : memref<4x128xi32, #tpu.memory_space<vmem>>) target_semaphore(%run_scoped3A : memref<!tpu.dma_semaphore, #tpu.memory_space<semaphore_mem>>)
      %dma_wait3A_142 = arith.constant 0 : i32
      %dma_wait3A_143 = arith.constant 0 : i32
      %dma_wait3A_144 = tpu.memref_slice %arg2[%add3A, %dma_wait3A_142, %dma_wait3A_143] : memref<32x4x128xi32, #tpu.memory_space<hbm>> -> memref<1x4x128xi32, #tpu.memory_space<hbm>>
      %dma_wait3A_145 = tpu.memref_squeeze %dma_wait3A_144 : memref<1x4x128xi32, #tpu.memory_space<hbm>> -> memref<4x128xi32, #tpu.memory_space<hbm>>
      %dma_wait3A_146 = arith.constant 0 : i32
      %dma_wait3A_147 = arith.constant 0 : i32
      %dma_wait3A_148 = tpu.memref_slice %arg2[%add3A, %dma_wait3A_146, %dma_wait3A_147] : memref<32x4x128xi32, #tpu.memory_space<hbm>> -> memref<1x4x128xi32, #tpu.memory_space<hbm>>
      %dma_wait3A_149 = tpu.memref_squeeze %dma_wait3A_148 : memref<1x4x128xi32, #tpu.memory_space<hbm>> -> memref<4x128xi32, #tpu.memory_space<hbm>>
      tpu.wait_dma2 semaphore(%run_scoped3A : memref<!tpu.dma_semaphore, #tpu.memory_space<semaphore_mem>>) src(%dma_wait3A_149 : memref<4x128xi32, #tpu.memory_space<hbm>>) dst(%arg10 : memref<4x128xi32, #tpu.memory_space<vmem>>)
      tpu.yield
    }) : () -> ()
    "tpu.region"() ({
      %run_scoped3A = tpu.sem_alloc : memref<!tpu.dma_semaphore, #tpu.memory_space<semaphore_mem>>
      %dma_start3A_134 = arith.constant 0 : i32
      %dma_start3A_135 = arith.constant 0 : i32
      %dma_start3A_136 = tpu.memref_slice %arg3[%add3A, %dma_start3A_134, %dma_start3A_135] : memref<32x4x128xi32, #tpu.memory_space<hbm>> -> memref<1x4x128xi32, #tpu.memory_space<hbm>>
      %dma_start3A_137 = tpu.memref_squeeze %dma_start3A_136 : memref<1x4x128xi32, #tpu.memory_space<hbm>> -> memref<4x128xi32, #tpu.memory_space<hbm>>
      %dma_start3A_138 = arith.constant 0 : i32
      %dma_start3A_139 = arith.constant 0 : i32
      %dma_start3A_140 = tpu.memref_slice %arg3[%add3A, %dma_start3A_138, %dma_start3A_139] : memref<32x4x128xi32, #tpu.memory_space<hbm>> -> memref<1x4x128xi32, #tpu.memory_space<hbm>>
      %dma_start3A_141 = tpu.memref_squeeze %dma_start3A_140 : memref<1x4x128xi32, #tpu.memory_space<hbm>> -> memref<4x128xi32, #tpu.memory_space<hbm>>
      tpu.enqueue_dma source(%dma_start3A_141 : memref<4x128xi32, #tpu.memory_space<hbm>>) target(%arg11 : memref<4x128xi32, #tpu.memory_space<vmem>>) target_semaphore(%run_scoped3A : memref<!tpu.dma_semaphore, #tpu.memory_space<semaphore_mem>>)
      %dma_wait3A_142 = arith.constant 0 : i32
      %dma_wait3A_143 = arith.constant 0 : i32
      %dma_wait3A_144 = tpu.memref_slice %arg3[%add3A, %dma_wait3A_142, %dma_wait3A_143] : memref<32x4x128xi32, #tpu.memory_space<hbm>> -> memref<1x4x128xi32, #tpu.memory_space<hbm>>
      %dma_wait3A_145 = tpu.memref_squeeze %dma_wait3A_144 : memref<1x4x128xi32, #tpu.memory_space<hbm>> -> memref<4x128xi32, #tpu.memory_space<hbm>>
      %dma_wait3A_146 = arith.constant 0 : i32
      %dma_wait3A_147 = arith.constant 0 : i32
      %dma_wait3A_148 = tpu.memref_slice %arg3[%add3A, %dma_wait3A_146, %dma_wait3A_147] : memref<32x4x128xi32, #tpu.memory_space<hbm>> -> memref<1x4x128xi32, #tpu.memory_space<hbm>>
      %dma_wait3A_149 = tpu.memref_squeeze %dma_wait3A_148 : memref<1x4x128xi32, #tpu.memory_space<hbm>> -> memref<4x128xi32, #tpu.memory_space<hbm>>
      tpu.wait_dma2 semaphore(%run_scoped3A : memref<!tpu.dma_semaphore, #tpu.memory_space<semaphore_mem>>) src(%dma_wait3A_149 : memref<4x128xi32, #tpu.memory_space<hbm>>) dst(%arg11 : memref<4x128xi32, #tpu.memory_space<vmem>>)
      tpu.yield
    }) : () -> ()
    "tpu.region"() ({
      %run_scoped3A = tpu.sem_alloc : memref<!tpu.dma_semaphore, #tpu.memory_space<semaphore_mem>>
      tpu.enqueue_dma source(%arg6 : memref<16xf32, #tpu.memory_space<hbm>>) target(%arg16 : memref<16xf32, #tpu.memory_space<vmem>>) target_semaphore(%run_scoped3A : memref<!tpu.dma_semaphore, #tpu.memory_space<semaphore_mem>>)
      tpu.wait_dma2 semaphore(%run_scoped3A : memref<!tpu.dma_semaphore, #tpu.memory_space<semaphore_mem>>) src(%arg6 : memref<16xf32, #tpu.memory_space<hbm>>) dst(%arg16 : memref<16xf32, #tpu.memory_space<vmem>>)
      tpu.yield
    }) : () -> ()
    %dma_start3A = arith.constant 0 : i32
    %dma_start3A_1 = arith.constant 0 : i32
    %dma_start3A_2 = tpu.memref_slice %arg14[%dma_start3A_1] : memref<512xf32, #tpu.memory_space<vmem>> -> memref<128xf32, #tpu.memory_space<vmem>>
    %dma_start3A_3 = arith.constant 0 : i32
    %dma_start3A_4 = tpu.memref_slice %arg10[%dma_start3A, %dma_start3A_3] : memref<4x128xi32, #tpu.memory_space<vmem>> -> memref<1x128xi32, #tpu.memory_space<vmem>>
    %dma_start3A_5 = tpu.memref_squeeze %dma_start3A_4 : memref<1x128xi32, #tpu.memory_space<vmem>> -> memref<128xi32, #tpu.memory_space<vmem>>
    %dma_start3A_6 = arith.constant 0 : i32
    %dma_start3A_7 = tpu.memref_slice %arg7[%dma_start3A_6] : memref<1000000xf32, #tpu.memory_space<hbm>> -> memref<1000000xf32, #tpu.memory_space<hbm>>
    tpu.enqueue_indirect_dma source(%dma_start3A_7 : memref<1000000xf32, #tpu.memory_space<hbm>>) target(%dma_start3A_2 : memref<128xf32, #tpu.memory_space<vmem>>) offsets(%dma_start3A_5 : memref<128xi32, #tpu.memory_space<vmem>>) semaphore(%arg19 : memref<!tpu.dma_semaphore, #tpu.memory_space<semaphore_mem>>)
    %dma_start3A_8 = arith.constant 0 : i32
    %dma_start3A_9 = arith.constant 0 : i32
    %dma_start3A_10 = tpu.memref_slice %arg15[%dma_start3A_9] : memref<512xf32, #tpu.memory_space<vmem>> -> memref<128xf32, #tpu.memory_space<vmem>>
    %dma_start3A_11 = arith.constant 0 : i32
    %dma_start3A_12 = tpu.memref_slice %arg11[%dma_start3A_8, %dma_start3A_11] : memref<4x128xi32, #tpu.memory_space<vmem>> -> memref<1x128xi32, #tpu.memory_space<vmem>>
    %dma_start3A_13 = tpu.memref_squeeze %dma_start3A_12 : memref<1x128xi32, #tpu.memory_space<vmem>> -> memref<128xi32, #tpu.memory_space<vmem>>
    %dma_start3A_14 = arith.constant 0 : i32
    %dma_start3A_15 = tpu.memref_slice %arg8[%dma_start3A_14] : memref<1000000xf32, #tpu.memory_space<hbm>> -> memref<1000000xf32, #tpu.memory_space<hbm>>
    tpu.enqueue_indirect_dma source(%dma_start3A_15 : memref<1000000xf32, #tpu.memory_space<hbm>>) target(%dma_start3A_10 : memref<128xf32, #tpu.memory_space<vmem>>) offsets(%dma_start3A_13 : memref<128xi32, #tpu.memory_space<vmem>>) semaphore(%arg19 : memref<!tpu.dma_semaphore, #tpu.memory_space<semaphore_mem>>)
    %dma_start3A_16 = arith.constant 1 : i32
    %dma_start3A_17 = arith.constant 128 : i32
    %dma_start3A_18 = tpu.memref_slice %arg14[%dma_start3A_17] : memref<512xf32, #tpu.memory_space<vmem>> -> memref<128xf32, #tpu.memory_space<vmem>>
    %dma_start3A_19 = arith.constant 0 : i32
    %dma_start3A_20 = tpu.memref_slice %arg10[%dma_start3A_16, %dma_start3A_19] : memref<4x128xi32, #tpu.memory_space<vmem>> -> memref<1x128xi32, #tpu.memory_space<vmem>>
    %dma_start3A_21 = tpu.memref_squeeze %dma_start3A_20 : memref<1x128xi32, #tpu.memory_space<vmem>> -> memref<128xi32, #tpu.memory_space<vmem>>
    %dma_start3A_22 = arith.constant 0 : i32
    %dma_start3A_23 = tpu.memref_slice %arg7[%dma_start3A_22] : memref<1000000xf32, #tpu.memory_space<hbm>> -> memref<1000000xf32, #tpu.memory_space<hbm>>
    tpu.enqueue_indirect_dma source(%dma_start3A_23 : memref<1000000xf32, #tpu.memory_space<hbm>>) target(%dma_start3A_18 : memref<128xf32, #tpu.memory_space<vmem>>) offsets(%dma_start3A_21 : memref<128xi32, #tpu.memory_space<vmem>>) semaphore(%arg19 : memref<!tpu.dma_semaphore, #tpu.memory_space<semaphore_mem>>)
    %dma_start3A_24 = arith.constant 1 : i32
    %dma_start3A_25 = arith.constant 128 : i32
    %dma_start3A_26 = tpu.memref_slice %arg15[%dma_start3A_25] : memref<512xf32, #tpu.memory_space<vmem>> -> memref<128xf32, #tpu.memory_space<vmem>>
    %dma_start3A_27 = arith.constant 0 : i32
    %dma_start3A_28 = tpu.memref_slice %arg11[%dma_start3A_24, %dma_start3A_27] : memref<4x128xi32, #tpu.memory_space<vmem>> -> memref<1x128xi32, #tpu.memory_space<vmem>>
    %dma_start3A_29 = tpu.memref_squeeze %dma_start3A_28 : memref<1x128xi32, #tpu.memory_space<vmem>> -> memref<128xi32, #tpu.memory_space<vmem>>
    %dma_start3A_30 = arith.constant 0 : i32
    %dma_start3A_31 = tpu.memref_slice %arg8[%dma_start3A_30] : memref<1000000xf32, #tpu.memory_space<hbm>> -> memref<1000000xf32, #tpu.memory_space<hbm>>
    tpu.enqueue_indirect_dma source(%dma_start3A_31 : memref<1000000xf32, #tpu.memory_space<hbm>>) target(%dma_start3A_26 : memref<128xf32, #tpu.memory_space<vmem>>) offsets(%dma_start3A_29 : memref<128xi32, #tpu.memory_space<vmem>>) semaphore(%arg19 : memref<!tpu.dma_semaphore, #tpu.memory_space<semaphore_mem>>)
    %dma_start3A_32 = arith.constant 2 : i32
    %dma_start3A_33 = arith.constant 256 : i32
    %dma_start3A_34 = tpu.memref_slice %arg14[%dma_start3A_33] : memref<512xf32, #tpu.memory_space<vmem>> -> memref<128xf32, #tpu.memory_space<vmem>>
    %dma_start3A_35 = arith.constant 0 : i32
    %dma_start3A_36 = tpu.memref_slice %arg10[%dma_start3A_32, %dma_start3A_35] : memref<4x128xi32, #tpu.memory_space<vmem>> -> memref<1x128xi32, #tpu.memory_space<vmem>>
    %dma_start3A_37 = tpu.memref_squeeze %dma_start3A_36 : memref<1x128xi32, #tpu.memory_space<vmem>> -> memref<128xi32, #tpu.memory_space<vmem>>
    %dma_start3A_38 = arith.constant 0 : i32
    %dma_start3A_39 = tpu.memref_slice %arg7[%dma_start3A_38] : memref<1000000xf32, #tpu.memory_space<hbm>> -> memref<1000000xf32, #tpu.memory_space<hbm>>
    tpu.enqueue_indirect_dma source(%dma_start3A_39 : memref<1000000xf32, #tpu.memory_space<hbm>>) target(%dma_start3A_34 : memref<128xf32, #tpu.memory_space<vmem>>) offsets(%dma_start3A_37 : memref<128xi32, #tpu.memory_space<vmem>>) semaphore(%arg19 : memref<!tpu.dma_semaphore, #tpu.memory_space<semaphore_mem>>)
    %dma_start3A_40 = arith.constant 2 : i32
    %dma_start3A_41 = arith.constant 256 : i32
    %dma_start3A_42 = tpu.memref_slice %arg15[%dma_start3A_41] : memref<512xf32, #tpu.memory_space<vmem>> -> memref<128xf32, #tpu.memory_space<vmem>>
    %dma_start3A_43 = arith.constant 0 : i32
    %dma_start3A_44 = tpu.memref_slice %arg11[%dma_start3A_40, %dma_start3A_43] : memref<4x128xi32, #tpu.memory_space<vmem>> -> memref<1x128xi32, #tpu.memory_space<vmem>>
    %dma_start3A_45 = tpu.memref_squeeze %dma_start3A_44 : memref<1x128xi32, #tpu.memory_space<vmem>> -> memref<128xi32, #tpu.memory_space<vmem>>
    %dma_start3A_46 = arith.constant 0 : i32
    %dma_start3A_47 = tpu.memref_slice %arg8[%dma_start3A_46] : memref<1000000xf32, #tpu.memory_space<hbm>> -> memref<1000000xf32, #tpu.memory_space<hbm>>
    tpu.enqueue_indirect_dma source(%dma_start3A_47 : memref<1000000xf32, #tpu.memory_space<hbm>>) target(%dma_start3A_42 : memref<128xf32, #tpu.memory_space<vmem>>) offsets(%dma_start3A_45 : memref<128xi32, #tpu.memory_space<vmem>>) semaphore(%arg19 : memref<!tpu.dma_semaphore, #tpu.memory_space<semaphore_mem>>)
    %dma_start3A_48 = arith.constant 3 : i32
    %dma_start3A_49 = arith.constant 384 : i32
    %dma_start3A_50 = tpu.memref_slice %arg14[%dma_start3A_49] : memref<512xf32, #tpu.memory_space<vmem>> -> memref<128xf32, #tpu.memory_space<vmem>>
    %dma_start3A_51 = arith.constant 0 : i32
    %dma_start3A_52 = tpu.memref_slice %arg10[%dma_start3A_48, %dma_start3A_51] : memref<4x128xi32, #tpu.memory_space<vmem>> -> memref<1x128xi32, #tpu.memory_space<vmem>>
    %dma_start3A_53 = tpu.memref_squeeze %dma_start3A_52 : memref<1x128xi32, #tpu.memory_space<vmem>> -> memref<128xi32, #tpu.memory_space<vmem>>
    %dma_start3A_54 = arith.constant 0 : i32
    %dma_start3A_55 = tpu.memref_slice %arg7[%dma_start3A_54] : memref<1000000xf32, #tpu.memory_space<hbm>> -> memref<1000000xf32, #tpu.memory_space<hbm>>
    tpu.enqueue_indirect_dma source(%dma_start3A_55 : memref<1000000xf32, #tpu.memory_space<hbm>>) target(%dma_start3A_50 : memref<128xf32, #tpu.memory_space<vmem>>) offsets(%dma_start3A_53 : memref<128xi32, #tpu.memory_space<vmem>>) semaphore(%arg19 : memref<!tpu.dma_semaphore, #tpu.memory_space<semaphore_mem>>)
    %dma_start3A_56 = arith.constant 3 : i32
    %dma_start3A_57 = arith.constant 384 : i32
    %dma_start3A_58 = tpu.memref_slice %arg15[%dma_start3A_57] : memref<512xf32, #tpu.memory_space<vmem>> -> memref<128xf32, #tpu.memory_space<vmem>>
    %dma_start3A_59 = arith.constant 0 : i32
    %dma_start3A_60 = tpu.memref_slice %arg11[%dma_start3A_56, %dma_start3A_59] : memref<4x128xi32, #tpu.memory_space<vmem>> -> memref<1x128xi32, #tpu.memory_space<vmem>>
    %dma_start3A_61 = tpu.memref_squeeze %dma_start3A_60 : memref<1x128xi32, #tpu.memory_space<vmem>> -> memref<128xi32, #tpu.memory_space<vmem>>
    %dma_start3A_62 = arith.constant 0 : i32
    %dma_start3A_63 = tpu.memref_slice %arg8[%dma_start3A_62] : memref<1000000xf32, #tpu.memory_space<hbm>> -> memref<1000000xf32, #tpu.memory_space<hbm>>
    tpu.enqueue_indirect_dma source(%dma_start3A_63 : memref<1000000xf32, #tpu.memory_space<hbm>>) target(%dma_start3A_58 : memref<128xf32, #tpu.memory_space<vmem>>) offsets(%dma_start3A_61 : memref<128xi32, #tpu.memory_space<vmem>>) semaphore(%arg19 : memref<!tpu.dma_semaphore, #tpu.memory_space<semaphore_mem>>)
    %dma_wait3A = arith.constant 0 : i32
    %dma_wait3A_64 = arith.constant 0 : i32
    %dma_wait3A_65 = tpu.memref_slice %arg14[%dma_wait3A_64] : memref<512xf32, #tpu.memory_space<vmem>> -> memref<128xf32, #tpu.memory_space<vmem>>
    %dma_wait3A_66 = arith.constant 0 : i32
    %dma_wait3A_67 = tpu.memref_slice %arg10[%dma_wait3A, %dma_wait3A_66] : memref<4x128xi32, #tpu.memory_space<vmem>> -> memref<1x128xi32, #tpu.memory_space<vmem>>
    %dma_wait3A_68 = tpu.memref_squeeze %dma_wait3A_67 : memref<1x128xi32, #tpu.memory_space<vmem>> -> memref<128xi32, #tpu.memory_space<vmem>>
    %dma_wait3A_69 = arith.constant 0 : i32
    %dma_wait3A_70 = tpu.memref_slice %arg7[%dma_wait3A_69] : memref<1000000xf32, #tpu.memory_space<hbm>> -> memref<1000000xf32, #tpu.memory_space<hbm>>
    tpu.wait_indirect_dma semaphore(%arg19 : memref<!tpu.dma_semaphore, #tpu.memory_space<semaphore_mem>>) src(%dma_wait3A_70 : memref<1000000xf32, #tpu.memory_space<hbm>>) dst(%dma_wait3A_65 : memref<128xf32, #tpu.memory_space<vmem>>)
    %dma_wait3A_71 = arith.constant 0 : i32
    %dma_wait3A_72 = arith.constant 0 : i32
    %dma_wait3A_73 = tpu.memref_slice %arg15[%dma_wait3A_72] : memref<512xf32, #tpu.memory_space<vmem>> -> memref<128xf32, #tpu.memory_space<vmem>>
    %dma_wait3A_74 = arith.constant 0 : i32
    %dma_wait3A_75 = tpu.memref_slice %arg11[%dma_wait3A_71, %dma_wait3A_74] : memref<4x128xi32, #tpu.memory_space<vmem>> -> memref<1x128xi32, #tpu.memory_space<vmem>>
    %dma_wait3A_76 = tpu.memref_squeeze %dma_wait3A_75 : memref<1x128xi32, #tpu.memory_space<vmem>> -> memref<128xi32, #tpu.memory_space<vmem>>
    %dma_wait3A_77 = arith.constant 0 : i32
    %dma_wait3A_78 = tpu.memref_slice %arg8[%dma_wait3A_77] : memref<1000000xf32, #tpu.memory_space<hbm>> -> memref<1000000xf32, #tpu.memory_space<hbm>>
    tpu.wait_indirect_dma semaphore(%arg19 : memref<!tpu.dma_semaphore, #tpu.memory_space<semaphore_mem>>) src(%dma_wait3A_78 : memref<1000000xf32, #tpu.memory_space<hbm>>) dst(%dma_wait3A_73 : memref<128xf32, #tpu.memory_space<vmem>>)
    %dma_wait3A_79 = arith.constant 1 : i32
    %dma_wait3A_80 = arith.constant 128 : i32
    %dma_wait3A_81 = tpu.memref_slice %arg14[%dma_wait3A_80] : memref<512xf32, #tpu.memory_space<vmem>> -> memref<128xf32, #tpu.memory_space<vmem>>
    %dma_wait3A_82 = arith.constant 0 : i32
    %dma_wait3A_83 = tpu.memref_slice %arg10[%dma_wait3A_79, %dma_wait3A_82] : memref<4x128xi32, #tpu.memory_space<vmem>> -> memref<1x128xi32, #tpu.memory_space<vmem>>
    %dma_wait3A_84 = tpu.memref_squeeze %dma_wait3A_83 : memref<1x128xi32, #tpu.memory_space<vmem>> -> memref<128xi32, #tpu.memory_space<vmem>>
    %dma_wait3A_85 = arith.constant 0 : i32
    %dma_wait3A_86 = tpu.memref_slice %arg7[%dma_wait3A_85] : memref<1000000xf32, #tpu.memory_space<hbm>> -> memref<1000000xf32, #tpu.memory_space<hbm>>
    tpu.wait_indirect_dma semaphore(%arg19 : memref<!tpu.dma_semaphore, #tpu.memory_space<semaphore_mem>>) src(%dma_wait3A_86 : memref<1000000xf32, #tpu.memory_space<hbm>>) dst(%dma_wait3A_81 : memref<128xf32, #tpu.memory_space<vmem>>)
    %dma_wait3A_87 = arith.constant 1 : i32
    %dma_wait3A_88 = arith.constant 128 : i32
    %dma_wait3A_89 = tpu.memref_slice %arg15[%dma_wait3A_88] : memref<512xf32, #tpu.memory_space<vmem>> -> memref<128xf32, #tpu.memory_space<vmem>>
    %dma_wait3A_90 = arith.constant 0 : i32
    %dma_wait3A_91 = tpu.memref_slice %arg11[%dma_wait3A_87, %dma_wait3A_90] : memref<4x128xi32, #tpu.memory_space<vmem>> -> memref<1x128xi32, #tpu.memory_space<vmem>>
    %dma_wait3A_92 = tpu.memref_squeeze %dma_wait3A_91 : memref<1x128xi32, #tpu.memory_space<vmem>> -> memref<128xi32, #tpu.memory_space<vmem>>
    %dma_wait3A_93 = arith.constant 0 : i32
    %dma_wait3A_94 = tpu.memref_slice %arg8[%dma_wait3A_93] : memref<1000000xf32, #tpu.memory_space<hbm>> -> memref<1000000xf32, #tpu.memory_space<hbm>>
    tpu.wait_indirect_dma semaphore(%arg19 : memref<!tpu.dma_semaphore, #tpu.memory_space<semaphore_mem>>) src(%dma_wait3A_94 : memref<1000000xf32, #tpu.memory_space<hbm>>) dst(%dma_wait3A_89 : memref<128xf32, #tpu.memory_space<vmem>>)
    %dma_wait3A_95 = arith.constant 2 : i32
    %dma_wait3A_96 = arith.constant 256 : i32
    %dma_wait3A_97 = tpu.memref_slice %arg14[%dma_wait3A_96] : memref<512xf32, #tpu.memory_space<vmem>> -> memref<128xf32, #tpu.memory_space<vmem>>
    %dma_wait3A_98 = arith.constant 0 : i32
    %dma_wait3A_99 = tpu.memref_slice %arg10[%dma_wait3A_95, %dma_wait3A_98] : memref<4x128xi32, #tpu.memory_space<vmem>> -> memref<1x128xi32, #tpu.memory_space<vmem>>
    %dma_wait3A_100 = tpu.memref_squeeze %dma_wait3A_99 : memref<1x128xi32, #tpu.memory_space<vmem>> -> memref<128xi32, #tpu.memory_space<vmem>>
    %dma_wait3A_101 = arith.constant 0 : i32
    %dma_wait3A_102 = tpu.memref_slice %arg7[%dma_wait3A_101] : memref<1000000xf32, #tpu.memory_space<hbm>> -> memref<1000000xf32, #tpu.memory_space<hbm>>
    tpu.wait_indirect_dma semaphore(%arg19 : memref<!tpu.dma_semaphore, #tpu.memory_space<semaphore_mem>>) src(%dma_wait3A_102 : memref<1000000xf32, #tpu.memory_space<hbm>>) dst(%dma_wait3A_97 : memref<128xf32, #tpu.memory_space<vmem>>)
    %dma_wait3A_103 = arith.constant 2 : i32
    %dma_wait3A_104 = arith.constant 256 : i32
    %dma_wait3A_105 = tpu.memref_slice %arg15[%dma_wait3A_104] : memref<512xf32, #tpu.memory_space<vmem>> -> memref<128xf32, #tpu.memory_space<vmem>>
    %dma_wait3A_106 = arith.constant 0 : i32
    %dma_wait3A_107 = tpu.memref_slice %arg11[%dma_wait3A_103, %dma_wait3A_106] : memref<4x128xi32, #tpu.memory_space<vmem>> -> memref<1x128xi32, #tpu.memory_space<vmem>>
    %dma_wait3A_108 = tpu.memref_squeeze %dma_wait3A_107 : memref<1x128xi32, #tpu.memory_space<vmem>> -> memref<128xi32, #tpu.memory_space<vmem>>
    %dma_wait3A_109 = arith.constant 0 : i32
    %dma_wait3A_110 = tpu.memref_slice %arg8[%dma_wait3A_109] : memref<1000000xf32, #tpu.memory_space<hbm>> -> memref<1000000xf32, #tpu.memory_space<hbm>>
    tpu.wait_indirect_dma semaphore(%arg19 : memref<!tpu.dma_semaphore, #tpu.memory_space<semaphore_mem>>) src(%dma_wait3A_110 : memref<1000000xf32, #tpu.memory_space<hbm>>) dst(%dma_wait3A_105 : memref<128xf32, #tpu.memory_space<vmem>>)
    %dma_wait3A_111 = arith.constant 3 : i32
    %dma_wait3A_112 = arith.constant 384 : i32
    %dma_wait3A_113 = tpu.memref_slice %arg14[%dma_wait3A_112] : memref<512xf32, #tpu.memory_space<vmem>> -> memref<128xf32, #tpu.memory_space<vmem>>
    %dma_wait3A_114 = arith.constant 0 : i32
    %dma_wait3A_115 = tpu.memref_slice %arg10[%dma_wait3A_111, %dma_wait3A_114] : memref<4x128xi32, #tpu.memory_space<vmem>> -> memref<1x128xi32, #tpu.memory_space<vmem>>
    %dma_wait3A_116 = tpu.memref_squeeze %dma_wait3A_115 : memref<1x128xi32, #tpu.memory_space<vmem>> -> memref<128xi32, #tpu.memory_space<vmem>>
    %dma_wait3A_117 = arith.constant 0 : i32
    %dma_wait3A_118 = tpu.memref_slice %arg7[%dma_wait3A_117] : memref<1000000xf32, #tpu.memory_space<hbm>> -> memref<1000000xf32, #tpu.memory_space<hbm>>
    tpu.wait_indirect_dma semaphore(%arg19 : memref<!tpu.dma_semaphore, #tpu.memory_space<semaphore_mem>>) src(%dma_wait3A_118 : memref<1000000xf32, #tpu.memory_space<hbm>>) dst(%dma_wait3A_113 : memref<128xf32, #tpu.memory_space<vmem>>)
    %dma_wait3A_119 = arith.constant 3 : i32
    %dma_wait3A_120 = arith.constant 384 : i32
    %dma_wait3A_121 = tpu.memref_slice %arg15[%dma_wait3A_120] : memref<512xf32, #tpu.memory_space<vmem>> -> memref<128xf32, #tpu.memory_space<vmem>>
    %dma_wait3A_122 = arith.constant 0 : i32
    %dma_wait3A_123 = tpu.memref_slice %arg11[%dma_wait3A_119, %dma_wait3A_122] : memref<4x128xi32, #tpu.memory_space<vmem>> -> memref<1x128xi32, #tpu.memory_space<vmem>>
    %dma_wait3A_124 = tpu.memref_squeeze %dma_wait3A_123 : memref<1x128xi32, #tpu.memory_space<vmem>> -> memref<128xi32, #tpu.memory_space<vmem>>
    %dma_wait3A_125 = arith.constant 0 : i32
    %dma_wait3A_126 = tpu.memref_slice %arg8[%dma_wait3A_125] : memref<1000000xf32, #tpu.memory_space<hbm>> -> memref<1000000xf32, #tpu.memory_space<hbm>>
    tpu.wait_indirect_dma semaphore(%arg19 : memref<!tpu.dma_semaphore, #tpu.memory_space<semaphore_mem>>) src(%dma_wait3A_126 : memref<1000000xf32, #tpu.memory_space<hbm>>) dst(%dma_wait3A_121 : memref<128xf32, #tpu.memory_space<vmem>>)
    %iota3A = tpu.iota {dimensions = array<i32: 0>} : vector<16xi32>
    %get3A = arith.constant 0 : index
    %get3A_127 = tpu.vector_load %arg16[%get3A] {strides = array<i32>} : memref<16xf32, #tpu.memory_space<vmem>>, vector<16xf32>,
    %scan3A = arith.constant 0 : i32
    %scan3A_128 = arith.constant 0 : i32
    %scan3A_129 = arith.constant 16 : i32
    %scan3A_130 = arith.addi %scan3A_128, %scan3A_129 : i32
    %scan3A_131 = arith.constant 1 : i32
    %scan3A_132 = scf.for %scan3A_134 = %scan3A_128 to %scan3A_130 step %scan3A_131 iter_args(%scan3A_135 = %scan3A) -> (i32)  : i32 {
      %scan3A_136 = arith.constant 0 : i32
      %scan3A_137 = arith.constant 0 : i32
      %scan3A_138 = arith.constant 2 : i32
      %scan3A_139 = arith.addi %scan3A_137, %scan3A_138 : i32
      %scan3A_140 = arith.constant 1 : i32
      %scan3A_141 = scf.for %scan3A_167 = %scan3A_137 to %scan3A_139 step %scan3A_140 iter_args(%scan3A_168 = %scan3A_136) -> (i32)  : i32 {
        %mul3A_169 = arith.constant 32 : i32
        %mul3A_170 = arith.muli %scan3A_134, %mul3A_169 : i32
        %mul3A_171 = arith.constant 16 : i32
        %mul3A_172 = arith.muli %scan3A_167, %mul3A_171 : i32
        %add3A_173 = arith.addi %mul3A_170, %mul3A_172 : i32
        %shift_right_arithmetic3A = arith.constant 7 : i32
        %shift_right_arithmetic3A_174 = arith.shrsi %add3A_173, %shift_right_arithmetic3A : i32
        %and3A = arith.constant 127 : i32
        %and3A_175 = arith.andi %add3A_173, %and3A : i32
        %get3A_176 = arith.index_cast %shift_right_arithmetic3A_174 : i32 to index
        %get3A_177 = arith.index_cast %and3A_175 : i32 to index
        %get3A_178 = tpu.vector_load %arg10[%get3A_176, %get3A_177] {strides = array<i32>} : memref<4x128xi32, #tpu.memory_space<vmem>>, vector<16xi32>,
        %shift_right_arithmetic3A_179 = arith.constant 7 : i32
        %shift_right_arithmetic3A_180 = arith.shrsi %add3A_173, %shift_right_arithmetic3A_179 : i32
        %and3A_181 = arith.constant 127 : i32
        %and3A_182 = arith.andi %add3A_173, %and3A_181 : i32
        %get3A_183 = arith.index_cast %shift_right_arithmetic3A_180 : i32 to index
        %get3A_184 = arith.index_cast %and3A_182 : i32 to index
        %get3A_185 = tpu.vector_load %arg11[%get3A_183, %get3A_184] {strides = array<i32>} : memref<4x128xi32, #tpu.memory_space<vmem>>, vector<16xi32>,
        %shift_right_arithmetic3A_186 = arith.constant 3 : i32
        %shift_right_arithmetic3A_187 = vector.broadcast %shift_right_arithmetic3A_186 : i32 to vector<16xi32>
        %shift_right_arithmetic3A_188 = arith.shrsi %get3A_178, %shift_right_arithmetic3A_187 : vector<16xi32>
        %shift_right_arithmetic3A_189 = arith.constant 3 : i32
        %shift_right_arithmetic3A_190 = vector.broadcast %shift_right_arithmetic3A_189 : i32 to vector<16xi32>
        %shift_right_arithmetic3A_191 = arith.shrsi %get3A_185, %shift_right_arithmetic3A_190 : vector<16xi32>
        %mul3A_192 = arith.constant 8 : i32
        %mul3A_193 = vector.broadcast %mul3A_192 : i32 to vector<16xi32>
        %mul3A_194 = arith.muli %shift_right_arithmetic3A_191, %mul3A_193 : vector<16xi32>
        %mul3A_195 = arith.constant 16 : i32
        %mul3A_196 = arith.muli %scan3A_167, %mul3A_195 : i32
        %add3A_197 = arith.constant 0 : i32
        %add3A_198 = arith.addi %mul3A_196, %add3A_197 : i32
        %slice3A = vector.extract_strided_slice %shift_right_arithmetic3A_188 {offsets = [0], sizes = [1], strides = [1]} : vector<16xi32> to vector<1xi32>
        %squeeze3A = vector.extract %slice3A[0] : i32 from vector<1xi32>
        %dma_start3A_199 = arith.constant 0 : i32
        %dma_start3A_200 = arith.constant 0 : i32
        %dma_start3A_201 = tpu.memref_slice %arg12[%add3A_198, %dma_start3A_199, %dma_start3A_200] : memref<32x8x64xf32, #tpu.memory_space<vmem>> -> memref<1x8x64xf32, #tpu.memory_space<vmem>>
        %dma_start3A_202 = tpu.memref_squeeze %dma_start3A_201 : memref<1x8x64xf32, #tpu.memory_space<vmem>> -> memref<8x64xf32, #tpu.memory_space<vmem>>
        %dma_start3A_203 = arith.constant 0 : i32
        %dma_start3A_204 = arith.constant 0 : i32
        %dma_start3A_205 = tpu.memref_slice %arg4[%squeeze3A, %dma_start3A_203, %dma_start3A_204] : memref<125000x8x64xf32, #tpu.memory_space<hbm>> -> memref<1x8x64xf32, #tpu.memory_space<hbm>>
        %dma_start3A_206 = tpu.memref_squeeze %dma_start3A_205 : memref<1x8x64xf32, #tpu.memory_space<hbm>> -> memref<8x64xf32, #tpu.memory_space<hbm>>
        %dma_start3A_207 = arith.constant 0 : i32
        %dma_start3A_208 = arith.constant 0 : i32
        %dma_start3A_209 = tpu.memref_slice %arg12[%add3A_198, %dma_start3A_207, %dma_start3A_208] : memref<32x8x64xf32, #tpu.memory_space<vmem>> -> memref<1x8x64xf32, #tpu.memory_space<vmem>>
        %dma_start3A_210 = tpu.memref_squeeze %dma_start3A_209 : memref<1x8x64xf32, #tpu.memory_space<vmem>> -> memref<8x64xf32, #tpu.memory_space<vmem>>
        %dma_start3A_211 = arith.constant 0 : i32
        %dma_start3A_212 = arith.constant 0 : i32
        %dma_start3A_213 = tpu.memref_slice %arg4[%squeeze3A, %dma_start3A_211, %dma_start3A_212] : memref<125000x8x64xf32, #tpu.memory_space<hbm>> -> memref<1x8x64xf32, #tpu.memory_space<hbm>>
        %dma_start3A_214 = tpu.memref_squeeze %dma_start3A_213 : memref<1x8x64xf32, #tpu.memory_space<hbm>> -> memref<8x64xf32, #tpu.memory_space<hbm>>
        tpu.enqueue_dma source(%dma_start3A_214 : memref<8x64xf32, #tpu.memory_space<hbm>>) target(%dma_start3A_210 : memref<8x64xf32, #tpu.memory_space<vmem>>) target_semaphore(%arg18 : memref<!tpu.dma_semaphore, #tpu.memory_space<semaphore_mem>>)
        %slice3A_215 = vector.extract_strided_slice %mul3A_194 {offsets = [0], sizes = [1], strides = [1]} : vector<16xi32> to vector<1xi32>
        %squeeze3A_216 = vector.extract %slice3A_215[0] : i32 from vector<1xi32>
        %multiple_of3A = tpu.assume_multiple %squeeze3A_216, 8 : i32
        %dma_start3A_217 = arith.constant 0 : i32
        %dma_start3A_218 = arith.constant 0 : i32
        %dma_start3A_219 = tpu.memref_slice %arg13[%add3A_198, %dma_start3A_217, %dma_start3A_218] : memref<32x8x64xf32, #tpu.memory_space<vmem>> -> memref<1x8x64xf32, #tpu.memory_space<vmem>>
        %dma_start3A_220 = tpu.memref_squeeze %dma_start3A_219 : memref<1x8x64xf32, #tpu.memory_space<vmem>> -> memref<8x64xf32, #tpu.memory_space<vmem>>
        %dma_start3A_221 = arith.constant 0 : i32
        %dma_start3A_222 = tpu.memref_slice %arg5[%multiple_of3A, %dma_start3A_221] : memref<1000000x64xf32, #tpu.memory_space<hbm>> -> memref<8x64xf32, #tpu.memory_space<hbm>>
        %dma_start3A_223 = arith.constant 0 : i32
        %dma_start3A_224 = arith.constant 0 : i32
        %dma_start3A_225 = tpu.memref_slice %arg13[%add3A_198, %dma_start3A_223, %dma_start3A_224] : memref<32x8x64xf32, #tpu.memory_space<vmem>> -> memref<1x8x64xf32, #tpu.memory_space<vmem>>
        %dma_start3A_226 = tpu.memref_squeeze %dma_start3A_225 : memref<1x8x64xf32, #tpu.memory_space<vmem>> -> memref<8x64xf32, #tpu.memory_space<vmem>>
        %dma_start3A_227 = arith.constant 0 : i32
        %dma_start3A_228 = tpu.memref_slice %arg5[%multiple_of3A, %dma_start3A_227] : memref<1000000x64xf32, #tpu.memory_space<hbm>> -> memref<8x64xf32, #tpu.memory_space<hbm>>
        tpu.enqueue_dma source(%dma_start3A_228 : memref<8x64xf32, #tpu.memory_space<hbm>>) target(%dma_start3A_226 : memref<8x64xf32, #tpu.memory_space<vmem>>) target_semaphore(%arg18 : memref<!tpu.dma_semaphore, #tpu.memory_space<semaphore_mem>>)
        %mul3A_229 = arith.constant 16 : i32
        %mul3A_230 = arith.muli %scan3A_167, %mul3A_229 : i32
        %add3A_231 = arith.constant 1 : i32
        %add3A_232 = arith.addi %mul3A_230, %add3A_231 : i32
        %slice3A_233 = vector.extract_strided_slice %shift_right_arithmetic3A_188 {offsets = [1], sizes = [1], strides = [1]} : vector<16xi32> to vector<1xi32>
        %squeeze3A_234 = vector.extract %slice3A_233[0] : i32 from vector<1xi32>
        %dma_start3A_235 = arith.constant 0 : i32
        %dma_start3A_236 = arith.constant 0 : i32
        %dma_start3A_237 = tpu.memref_slice %arg12[%add3A_232, %dma_start3A_235, %dma_start3A_236] : memref<32x8x64xf32, #tpu.memory_space<vmem>> -> memref<1x8x64xf32, #tpu.memory_space<vmem>>
        %dma_start3A_238 = tpu.memref_squeeze %dma_start3A_237 : memref<1x8x64xf32, #tpu.memory_space<vmem>> -> memref<8x64xf32, #tpu.memory_space<vmem>>
        %dma_start3A_239 = arith.constant 0 : i32
        %dma_start3A_240 = arith.constant 0 : i32
        %dma_start3A_241 = tpu.memref_slice %arg4[%squeeze3A_234, %dma_start3A_239, %dma_start3A_240] : memref<125000x8x64xf32, #tpu.memory_space<hbm>> -> memref<1x8x64xf32, #tpu.memory_space<hbm>>
        %dma_start3A_242 = tpu.memref_squeeze %dma_start3A_241 : memref<1x8x64xf32, #tpu.memory_space<hbm>> -> memref<8x64xf32, #tpu.memory_space<hbm>>
        %dma_start3A_243 = arith.constant 0 : i32
        %dma_start3A_244 = arith.constant 0 : i32
        %dma_start3A_245 = tpu.memref_slice %arg12[%add3A_232, %dma_start3A_243, %dma_start3A_244] : memref<32x8x64xf32, #tpu.memory_space<vmem>> -> memref<1x8x64xf32, #tpu.memory_space<vmem>>
        %dma_start3A_246 = tpu.memref_squeeze %dma_start3A_245 : memref<1x8x64xf32, #tpu.memory_space<vmem>> -> memref<8x64xf32, #tpu.memory_space<vmem>>
        %dma_start3A_247 = arith.constant 0 : i32
        %dma_start3A_248 = arith.constant 0 : i32
        %dma_start3A_249 = tpu.memref_slice %arg4[%squeeze3A_234, %dma_start3A_247, %dma_start3A_248] : memref<125000x8x64xf32, #tpu.memory_space<hbm>> -> memref<1x8x64xf32, #tpu.memory_space<hbm>>
        %dma_start3A_250 = tpu.memref_squeeze %dma_start3A_249 : memref<1x8x64xf32, #tpu.memory_space<hbm>> -> memref<8x64xf32, #tpu.memory_space<hbm>>
        tpu.enqueue_dma source(%dma_start3A_250 : memref<8x64xf32, #tpu.memory_space<hbm>>) target(%dma_start3A_246 : memref<8x64xf32, #tpu.memory_space<vmem>>) target_semaphore(%arg18 : memref<!tpu.dma_semaphore, #tpu.memory_space<semaphore_mem>>)
        %slice3A_251 = vector.extract_strided_slice %mul3A_194 {offsets = [1], sizes = [1], strides = [1]} : vector<16xi32> to vector<1xi32>
        %squeeze3A_252 = vector.extract %slice3A_251[0] : i32 from vector<1xi32>
        %multiple_of3A_253 = tpu.assume_multiple %squeeze3A_252, 8 : i32
        %dma_start3A_254 = arith.constant 0 : i32
        %dma_start3A_255 = arith.constant 0 : i32
        %dma_start3A_256 = tpu.memref_slice %arg13[%add3A_232, %dma_start3A_254, %dma_start3A_255] : memref<32x8x64xf32, #tpu.memory_space<vmem>> -> memref<1x8x64xf32, #tpu.memory_space<vmem>>
        %dma_start3A_257 = tpu.memref_squeeze %dma_start3A_256 : memref<1x8x64xf32, #tpu.memory_space<vmem>> -> memref<8x64xf32, #tpu.memory_space<vmem>>
        %dma_start3A_258 = arith.constant 0 : i32
        %dma_start3A_259 = tpu.memref_slice %arg5[%multiple_of3A_253, %dma_start3A_258] : memref<1000000x64xf32, #tpu.memory_space<hbm>> -> memref<8x64xf32, #tpu.memory_space<hbm>>
        %dma_start3A_260 = arith.constant 0 : i32
        %dma_start3A_261 = arith.constant 0 : i32
        %dma_start3A_262 = tpu.memref_slice %arg13[%add3A_232, %dma_start3A_260, %dma_start3A_261] : memref<32x8x64xf32, #tpu.memory_space<vmem>> -> memref<1x8x64xf32, #tpu.memory_space<vmem>>
        %dma_start3A_263 = tpu.memref_squeeze %dma_start3A_262 : memref<1x8x64xf32, #tpu.memory_space<vmem>> -> memref<8x64xf32, #tpu.memory_space<vmem>>
        %dma_start3A_264 = arith.constant 0 : i32
        %dma_start3A_265 = tpu.memref_slice %arg5[%multiple_of3A_253, %dma_start3A_264] : memref<1000000x64xf32, #tpu.memory_space<hbm>> -> memref<8x64xf32, #tpu.memory_space<hbm>>
        tpu.enqueue_dma source(%dma_start3A_265 : memref<8x64xf32, #tpu.memory_space<hbm>>) target(%dma_start3A_263 : memref<8x64xf32, #tpu.memory_space<vmem>>) target_semaphore(%arg18 : memref<!tpu.dma_semaphore, #tpu.memory_space<semaphore_mem>>)
        %mul3A_266 = arith.constant 16 : i32
        %mul3A_267 = arith.muli %scan3A_167, %mul3A_266 : i32
        %add3A_268 = arith.constant 2 : i32
        %add3A_269 = arith.addi %mul3A_267, %add3A_268 : i32
        %slice3A_270 = vector.extract_strided_slice %shift_right_arithmetic3A_188 {offsets = [2], sizes = [1], strides = [1]} : vector<16xi32> to vector<1xi32>
        %squeeze3A_271 = vector.extract %slice3A_270[0] : i32 from vector<1xi32>
        %dma_start3A_272 = arith.constant 0 : i32
        %dma_start3A_273 = arith.constant 0 : i32
        %dma_start3A_274 = tpu.memref_slice %arg12[%add3A_269, %dma_start3A_272, %dma_start3A_273] : memref<32x8x64xf32, #tpu.memory_space<vmem>> -> memref<1x8x64xf32, #tpu.memory_space<vmem>>
        %dma_start3A_275 = tpu.memref_squeeze %dma_start3A_274 : memref<1x8x64xf32, #tpu.memory_space<vmem>> -> memref<8x64xf32, #tpu.memory_space<vmem>>
        %dma_start3A_276 = arith.constant 0 : i32
        %dma_start3A_277 = arith.constant 0 : i32
        %dma_start3A_278 = tpu.memref_slice %arg4[%squeeze3A_271, %dma_start3A_276, %dma_start3A_277] : memref<125000x8x64xf32, #tpu.memory_space<hbm>> -> memref<1x8x64xf32, #tpu.memory_space<hbm>>
        %dma_start3A_279 = tpu.memref_squeeze %dma_start3A_278 : memref<1x8x64xf32, #tpu.memory_space<hbm>> -> memref<8x64xf32, #tpu.memory_space<hbm>>
        %dma_start3A_280 = arith.constant 0 : i32
        %dma_start3A_281 = arith.constant 0 : i32
        %dma_start3A_282 = tpu.memref_slice %arg12[%add3A_269, %dma_start3A_280, %dma_start3A_281] : memref<32x8x64xf32, #tpu.memory_space<vmem>> -> memref<1x8x64xf32, #tpu.memory_space<vmem>>
        %dma_start3A_283 = tpu.memref_squeeze %dma_start3A_282 : memref<1x8x64xf32, #tpu.memory_space<vmem>> -> memref<8x64xf32, #tpu.memory_space<vmem>>
        %dma_start3A_284 = arith.constant 0 : i32
        %dma_start3A_285 = arith.constant 0 : i32
        %dma_start3A_286 = tpu.memref_slice %arg4[%squeeze3A_271, %dma_start3A_284, %dma_start3A_285] : memref<125000x8x64xf32, #tpu.memory_space<hbm>> -> memref<1x8x64xf32, #tpu.memory_space<hbm>>
        %dma_start3A_287 = tpu.memref_squeeze %dma_start3A_286 : memref<1x8x64xf32, #tpu.memory_space<hbm>> -> memref<8x64xf32, #tpu.memory_space<hbm>>
        tpu.enqueue_dma source(%dma_start3A_287 : memref<8x64xf32, #tpu.memory_space<hbm>>) target(%dma_start3A_283 : memref<8x64xf32, #tpu.memory_space<vmem>>) target_semaphore(%arg18 : memref<!tpu.dma_semaphore, #tpu.memory_space<semaphore_mem>>)
        %slice3A_288 = vector.extract_strided_slice %mul3A_194 {offsets = [2], sizes = [1], strides = [1]} : vector<16xi32> to vector<1xi32>
        %squeeze3A_289 = vector.extract %slice3A_288[0] : i32 from vector<1xi32>
        %multiple_of3A_290 = tpu.assume_multiple %squeeze3A_289, 8 : i32
        %dma_start3A_291 = arith.constant 0 : i32
        %dma_start3A_292 = arith.constant 0 : i32
        %dma_start3A_293 = tpu.memref_slice %arg13[%add3A_269, %dma_start3A_291, %dma_start3A_292] : memref<32x8x64xf32, #tpu.memory_space<vmem>> -> memref<1x8x64xf32, #tpu.memory_space<vmem>>
        %dma_start3A_294 = tpu.memref_squeeze %dma_start3A_293 : memref<1x8x64xf32, #tpu.memory_space<vmem>> -> memref<8x64xf32, #tpu.memory_space<vmem>>
        %dma_start3A_295 = arith.constant 0 : i32
        %dma_start3A_296 = tpu.memref_slice %arg5[%multiple_of3A_290, %dma_start3A_295] : memref<1000000x64xf32, #tpu.memory_space<hbm>> -> memref<8x64xf32, #tpu.memory_space<hbm>>
        %dma_start3A_297 = arith.constant 0 : i32
        %dma_start3A_298 = arith.constant 0 : i32
        %dma_start3A_299 = tpu.memref_slice %arg13[%add3A_269, %dma_start3A_297, %dma_start3A_298] : memref<32x8x64xf32, #tpu.memory_space<vmem>> -> memref<1x8x64xf32, #tpu.memory_space<vmem>>
        %dma_start3A_300 = tpu.memref_squeeze %dma_start3A_299 : memref<1x8x64xf32, #tpu.memory_space<vmem>> -> memref<8x64xf32, #tpu.memory_space<vmem>>
        %dma_start3A_301 = arith.constant 0 : i32
        %dma_start3A_302 = tpu.memref_slice %arg5[%multiple_of3A_290, %dma_start3A_301] : memref<1000000x64xf32, #tpu.memory_space<hbm>> -> memref<8x64xf32, #tpu.memory_space<hbm>>
        tpu.enqueue_dma source(%dma_start3A_302 : memref<8x64xf32, #tpu.memory_space<hbm>>) target(%dma_start3A_300 : memref<8x64xf32, #tpu.memory_space<vmem>>) target_semaphore(%arg18 : memref<!tpu.dma_semaphore, #tpu.memory_space<semaphore_mem>>)
        %mul3A_303 = arith.constant 16 : i32
        %mul3A_304 = arith.muli %scan3A_167, %mul3A_303 : i32
        %add3A_305 = arith.constant 3 : i32
        %add3A_306 = arith.addi %mul3A_304, %add3A_305 : i32
        %slice3A_307 = vector.extract_strided_slice %shift_right_arithmetic3A_188 {offsets = [3], sizes = [1], strides = [1]} : vector<16xi32> to vector<1xi32>
        %squeeze3A_308 = vector.extract %slice3A_307[0] : i32 from vector<1xi32>
        %dma_start3A_309 = arith.constant 0 : i32
        %dma_start3A_310 = arith.constant 0 : i32
        %dma_start3A_311 = tpu.memref_slice %arg12[%add3A_306, %dma_start3A_309, %dma_start3A_310] : memref<32x8x64xf32, #tpu.memory_space<vmem>> -> memref<1x8x64xf32, #tpu.memory_space<vmem>>
        %dma_start3A_312 = tpu.memref_squeeze %dma_start3A_311 : memref<1x8x64xf32, #tpu.memory_space<vmem>> -> memref<8x64xf32, #tpu.memory_space<vmem>>
        %dma_start3A_313 = arith.constant 0 : i32
        %dma_start3A_314 = arith.constant 0 : i32
        %dma_start3A_315 = tpu.memref_slice %arg4[%squeeze3A_308, %dma_start3A_313, %dma_start3A_314] : memref<125000x8x64xf32, #tpu.memory_space<hbm>> -> memref<1x8x64xf32, #tpu.memory_space<hbm>>
        %dma_start3A_316 = tpu.memref_squeeze %dma_start3A_315 : memref<1x8x64xf32, #tpu.memory_space<hbm>> -> memref<8x64xf32, #tpu.memory_space<hbm>>
        %dma_start3A_317 = arith.constant 0 : i32
        %dma_start3A_318 = arith.constant 0 : i32
        %dma_start3A_319 = tpu.memref_slice %arg12[%add3A_306, %dma_start3A_317, %dma_start3A_318] : memref<32x8x64xf32, #tpu.memory_space<vmem>> -> memref<1x8x64xf32, #tpu.memory_space<vmem>>
        %dma_start3A_320 = tpu.memref_squeeze %dma_start3A_319 : memref<1x8x64xf32, #tpu.memory_space<vmem>> -> memref<8x64xf32, #tpu.memory_space<vmem>>
        %dma_start3A_321 = arith.constant 0 : i32
        %dma_start3A_322 = arith.constant 0 : i32
        %dma_start3A_323 = tpu.memref_slice %arg4[%squeeze3A_308, %dma_start3A_321, %dma_start3A_322] : memref<125000x8x64xf32, #tpu.memory_space<hbm>> -> memref<1x8x64xf32, #tpu.memory_space<hbm>>
        %dma_start3A_324 = tpu.memref_squeeze %dma_start3A_323 : memref<1x8x64xf32, #tpu.memory_space<hbm>> -> memref<8x64xf32, #tpu.memory_space<hbm>>
        tpu.enqueue_dma source(%dma_start3A_324 : memref<8x64xf32, #tpu.memory_space<hbm>>) target(%dma_start3A_320 : memref<8x64xf32, #tpu.memory_space<vmem>>) target_semaphore(%arg18 : memref<!tpu.dma_semaphore, #tpu.memory_space<semaphore_mem>>)
        %slice3A_325 = vector.extract_strided_slice %mul3A_194 {offsets = [3], sizes = [1], strides = [1]} : vector<16xi32> to vector<1xi32>
        %squeeze3A_326 = vector.extract %slice3A_325[0] : i32 from vector<1xi32>
        %multiple_of3A_327 = tpu.assume_multiple %squeeze3A_326, 8 : i32
        %dma_start3A_328 = arith.constant 0 : i32
        %dma_start3A_329 = arith.constant 0 : i32
        %dma_start3A_330 = tpu.memref_slice %arg13[%add3A_306, %dma_start3A_328, %dma_start3A_329] : memref<32x8x64xf32, #tpu.memory_space<vmem>> -> memref<1x8x64xf32, #tpu.memory_space<vmem>>
        %dma_start3A_331 = tpu.memref_squeeze %dma_start3A_330 : memref<1x8x64xf32, #tpu.memory_space<vmem>> -> memref<8x64xf32, #tpu.memory_space<vmem>>
        %dma_start3A_332 = arith.constant 0 : i32
        %dma_start3A_333 = tpu.memref_slice %arg5[%multiple_of3A_327, %dma_start3A_332] : memref<1000000x64xf32, #tpu.memory_space<hbm>> -> memref<8x64xf32, #tpu.memory_space<hbm>>
        %dma_start3A_334 = arith.constant 0 : i32
        %dma_start3A_335 = arith.constant 0 : i32
        %dma_start3A_336 = tpu.memref_slice %arg13[%add3A_306, %dma_start3A_334, %dma_start3A_335] : memref<32x8x64xf32, #tpu.memory_space<vmem>> -> memref<1x8x64xf32, #tpu.memory_space<vmem>>
        %dma_start3A_337 = tpu.memref_squeeze %dma_start3A_336 : memref<1x8x64xf32, #tpu.memory_space<vmem>> -> memref<8x64xf32, #tpu.memory_space<vmem>>
        %dma_start3A_338 = arith.constant 0 : i32
        %dma_start3A_339 = tpu.memref_slice %arg5[%multiple_of3A_327, %dma_start3A_338] : memref<1000000x64xf32, #tpu.memory_space<hbm>> -> memref<8x64xf32, #tpu.memory_space<hbm>>
        tpu.enqueue_dma source(%dma_start3A_339 : memref<8x64xf32, #tpu.memory_space<hbm>>) target(%dma_start3A_337 : memref<8x64xf32, #tpu.memory_space<vmem>>) target_semaphore(%arg18 : memref<!tpu.dma_semaphore, #tpu.memory_space<semaphore_mem>>)
        %mul3A_340 = arith.constant 16 : i32
        %mul3A_341 = arith.muli %scan3A_167, %mul3A_340 : i32
        %add3A_342 = arith.constant 4 : i32
        %add3A_343 = arith.addi %mul3A_341, %add3A_342 : i32
        %slice3A_344 = vector.extract_strided_slice %shift_right_arithmetic3A_188 {offsets = [4], sizes = [1], strides = [1]} : vector<16xi32> to vector<1xi32>
        %squeeze3A_345 = vector.extract %slice3A_344[0] : i32 from vector<1xi32>
        %dma_start3A_346 = arith.constant 0 : i32
        %dma_start3A_347 = arith.constant 0 : i32
        %dma_start3A_348 = tpu.memref_slice %arg12[%add3A_343, %dma_start3A_346, %dma_start3A_347] : memref<32x8x64xf32, #tpu.memory_space<vmem>> -> memref<1x8x64xf32, #tpu.memory_space<vmem>>
        %dma_start3A_349 = tpu.memref_squeeze %dma_start3A_348 : memref<1x8x64xf32, #tpu.memory_space<vmem>> -> memref<8x64xf32, #tpu.memory_space<vmem>>
        %dma_start3A_350 = arith.constant 0 : i32
        %dma_start3A_351 = arith.constant 0 : i32
        %dma_start3A_352 = tpu.memref_slice %arg4[%squeeze3A_345, %dma_start3A_350, %dma_start3A_351] : memref<125000x8x64xf32, #tpu.memory_space<hbm>> -> memref<1x8x64xf32, #tpu.memory_space<hbm>>
        %dma_start3A_353 = tpu.memref_squeeze %dma_start3A_352 : memref<1x8x64xf32, #tpu.memory_space<hbm>> -> memref<8x64xf32, #tpu.memory_space<hbm>>
        %dma_start3A_354 = arith.constant 0 : i32
        %dma_start3A_355 = arith.constant 0 : i32
        %dma_start3A_356 = tpu.memref_slice %arg12[%add3A_343, %dma_start3A_354, %dma_start3A_355] : memref<32x8x64xf32, #tpu.memory_space<vmem>> -> memref<1x8x64xf32, #tpu.memory_space<vmem>>
        %dma_start3A_357 = tpu.memref_squeeze %dma_start3A_356 : memref<1x8x64xf32, #tpu.memory_space<vmem>> -> memref<8x64xf32, #tpu.memory_space<vmem>>
        %dma_start3A_358 = arith.constant 0 : i32
        %dma_start3A_359 = arith.constant 0 : i32
        %dma_start3A_360 = tpu.memref_slice %arg4[%squeeze3A_345, %dma_start3A_358, %dma_start3A_359] : memref<125000x8x64xf32, #tpu.memory_space<hbm>> -> memref<1x8x64xf32, #tpu.memory_space<hbm>>
        %dma_start3A_361 = tpu.memref_squeeze %dma_start3A_360 : memref<1x8x64xf32, #tpu.memory_space<hbm>> -> memref<8x64xf32, #tpu.memory_space<hbm>>
        tpu.enqueue_dma source(%dma_start3A_361 : memref<8x64xf32, #tpu.memory_space<hbm>>) target(%dma_start3A_357 : memref<8x64xf32, #tpu.memory_space<vmem>>) target_semaphore(%arg18 : memref<!tpu.dma_semaphore, #tpu.memory_space<semaphore_mem>>)
        %slice3A_362 = vector.extract_strided_slice %mul3A_194 {offsets = [4], sizes = [1], strides = [1]} : vector<16xi32> to vector<1xi32>
        %squeeze3A_363 = vector.extract %slice3A_362[0] : i32 from vector<1xi32>
        %multiple_of3A_364 = tpu.assume_multiple %squeeze3A_363, 8 : i32
        %dma_start3A_365 = arith.constant 0 : i32
        %dma_start3A_366 = arith.constant 0 : i32
        %dma_start3A_367 = tpu.memref_slice %arg13[%add3A_343, %dma_start3A_365, %dma_start3A_366] : memref<32x8x64xf32, #tpu.memory_space<vmem>> -> memref<1x8x64xf32, #tpu.memory_space<vmem>>
        %dma_start3A_368 = tpu.memref_squeeze %dma_start3A_367 : memref<1x8x64xf32, #tpu.memory_space<vmem>> -> memref<8x64xf32, #tpu.memory_space<vmem>>
        %dma_start3A_369 = arith.constant 0 : i32
        %dma_start3A_370 = tpu.memref_slice %arg5[%multiple_of3A_364, %dma_start3A_369] : memref<1000000x64xf32, #tpu.memory_space<hbm>> -> memref<8x64xf32, #tpu.memory_space<hbm>>
        %dma_start3A_371 = arith.constant 0 : i32
        %dma_start3A_372 = arith.constant 0 : i32
        %dma_start3A_373 = tpu.memref_slice %arg13[%add3A_343, %dma_start3A_371, %dma_start3A_372] : memref<32x8x64xf32, #tpu.memory_space<vmem>> -> memref<1x8x64xf32, #tpu.memory_space<vmem>>
        %dma_start3A_374 = tpu.memref_squeeze %dma_start3A_373 : memref<1x8x64xf32, #tpu.memory_space<vmem>> -> memref<8x64xf32, #tpu.memory_space<vmem>>
        %dma_start3A_375 = arith.constant 0 : i32
        %dma_start3A_376 = tpu.memref_slice %arg5[%multiple_of3A_364, %dma_start3A_375] : memref<1000000x64xf32, #tpu.memory_space<hbm>> -> memref<8x64xf32, #tpu.memory_space<hbm>>
        tpu.enqueue_dma source(%dma_start3A_376 : memref<8x64xf32, #tpu.memory_space<hbm>>) target(%dma_start3A_374 : memref<8x64xf32, #tpu.memory_space<vmem>>) target_semaphore(%arg18 : memref<!tpu.dma_semaphore, #tpu.memory_space<semaphore_mem>>)
        %mul3A_377 = arith.constant 16 : i32
        %mul3A_378 = arith.muli %scan3A_167, %mul3A_377 : i32
        %add3A_379 = arith.constant 5 : i32
        %add3A_380 = arith.addi %mul3A_378, %add3A_379 : i32
        %slice3A_381 = vector.extract_strided_slice %shift_right_arithmetic3A_188 {offsets = [5], sizes = [1], strides = [1]} : vector<16xi32> to vector<1xi32>
        %squeeze3A_382 = vector.extract %slice3A_381[0] : i32 from vector<1xi32>
        %dma_start3A_383 = arith.constant 0 : i32
        %dma_start3A_384 = arith.constant 0 : i32
        %dma_start3A_385 = tpu.memref_slice %arg12[%add3A_380, %dma_start3A_383, %dma_start3A_384] : memref<32x8x64xf32, #tpu.memory_space<vmem>> -> memref<1x8x64xf32, #tpu.memory_space<vmem>>
        %dma_start3A_386 = tpu.memref_squeeze %dma_start3A_385 : memref<1x8x64xf32, #tpu.memory_space<vmem>> -> memref<8x64xf32, #tpu.memory_space<vmem>>
        %dma_start3A_387 = arith.constant 0 : i32
        %dma_start3A_388 = arith.constant 0 : i32
        %dma_start3A_389 = tpu.memref_slice %arg4[%squeeze3A_382, %dma_start3A_387, %dma_start3A_388] : memref<125000x8x64xf32, #tpu.memory_space<hbm>> -> memref<1x8x64xf32, #tpu.memory_space<hbm>>
        %dma_start3A_390 = tpu.memref_squeeze %dma_start3A_389 : memref<1x8x64xf32, #tpu.memory_space<hbm>> -> memref<8x64xf32, #tpu.memory_space<hbm>>
        %dma_start3A_391 = arith.constant 0 : i32
        %dma_start3A_392 = arith.constant 0 : i32
        %dma_start3A_393 = tpu.memref_slice %arg12[%add3A_380, %dma_start3A_391, %dma_start3A_392] : memref<32x8x64xf32, #tpu.memory_space<vmem>> -> memref<1x8x64xf32, #tpu.memory_space<vmem>>
        %dma_start3A_394 = tpu.memref_squeeze %dma_start3A_393 : memref<1x8x64xf32, #tpu.memory_space<vmem>> -> memref<8x64xf32, #tpu.memory_space<vmem>>
        %dma_start3A_395 = arith.constant 0 : i32
        %dma_start3A_396 = arith.constant 0 : i32
        %dma_start3A_397 = tpu.memref_slice %arg4[%squeeze3A_382, %dma_start3A_395, %dma_start3A_396] : memref<125000x8x64xf32, #tpu.memory_space<hbm>> -> memref<1x8x64xf32, #tpu.memory_space<hbm>>
        %dma_start3A_398 = tpu.memref_squeeze %dma_start3A_397 : memref<1x8x64xf32, #tpu.memory_space<hbm>> -> memref<8x64xf32, #tpu.memory_space<hbm>>
        tpu.enqueue_dma source(%dma_start3A_398 : memref<8x64xf32, #tpu.memory_space<hbm>>) target(%dma_start3A_394 : memref<8x64xf32, #tpu.memory_space<vmem>>) target_semaphore(%arg18 : memref<!tpu.dma_semaphore, #tpu.memory_space<semaphore_mem>>)
        %slice3A_399 = vector.extract_strided_slice %mul3A_194 {offsets = [5], sizes = [1], strides = [1]} : vector<16xi32> to vector<1xi32>
        %squeeze3A_400 = vector.extract %slice3A_399[0] : i32 from vector<1xi32>
        %multiple_of3A_401 = tpu.assume_multiple %squeeze3A_400, 8 : i32
        %dma_start3A_402 = arith.constant 0 : i32
        %dma_start3A_403 = arith.constant 0 : i32
        %dma_start3A_404 = tpu.memref_slice %arg13[%add3A_380, %dma_start3A_402, %dma_start3A_403] : memref<32x8x64xf32, #tpu.memory_space<vmem>> -> memref<1x8x64xf32, #tpu.memory_space<vmem>>
        %dma_start3A_405 = tpu.memref_squeeze %dma_start3A_404 : memref<1x8x64xf32, #tpu.memory_space<vmem>> -> memref<8x64xf32, #tpu.memory_space<vmem>>
        %dma_start3A_406 = arith.constant 0 : i32
        %dma_start3A_407 = tpu.memref_slice %arg5[%multiple_of3A_401, %dma_start3A_406] : memref<1000000x64xf32, #tpu.memory_space<hbm>> -> memref<8x64xf32, #tpu.memory_space<hbm>>
        %dma_start3A_408 = arith.constant 0 : i32
        %dma_start3A_409 = arith.constant 0 : i32
        %dma_start3A_410 = tpu.memref_slice %arg13[%add3A_380, %dma_start3A_408, %dma_start3A_409] : memref<32x8x64xf32, #tpu.memory_space<vmem>> -> memref<1x8x64xf32, #tpu.memory_space<vmem>>
        %dma_start3A_411 = tpu.memref_squeeze %dma_start3A_410 : memref<1x8x64xf32, #tpu.memory_space<vmem>> -> memref<8x64xf32, #tpu.memory_space<vmem>>
        %dma_start3A_412 = arith.constant 0 : i32
        %dma_start3A_413 = tpu.memref_slice %arg5[%multiple_of3A_401, %dma_start3A_412] : memref<1000000x64xf32, #tpu.memory_space<hbm>> -> memref<8x64xf32, #tpu.memory_space<hbm>>
        tpu.enqueue_dma source(%dma_start3A_413 : memref<8x64xf32, #tpu.memory_space<hbm>>) target(%dma_start3A_411 : memref<8x64xf32, #tpu.memory_space<vmem>>) target_semaphore(%arg18 : memref<!tpu.dma_semaphore, #tpu.memory_space<semaphore_mem>>)
        %mul3A_414 = arith.constant 16 : i32
        %mul3A_415 = arith.muli %scan3A_167, %mul3A_414 : i32
        %add3A_416 = arith.constant 6 : i32
        %add3A_417 = arith.addi %mul3A_415, %add3A_416 : i32
        %slice3A_418 = vector.extract_strided_slice %shift_right_arithmetic3A_188 {offsets = [6], sizes = [1], strides = [1]} : vector<16xi32> to vector<1xi32>
        %squeeze3A_419 = vector.extract %slice3A_418[0] : i32 from vector<1xi32>
        %dma_start3A_420 = arith.constant 0 : i32
        %dma_start3A_421 = arith.constant 0 : i32
        %dma_start3A_422 = tpu.memref_slice %arg12[%add3A_417, %dma_start3A_420, %dma_start3A_421] : memref<32x8x64xf32, #tpu.memory_space<vmem>> -> memref<1x8x64xf32, #tpu.memory_space<vmem>>
        %dma_start3A_423 = tpu.memref_squeeze %dma_start3A_422 : memref<1x8x64xf32, #tpu.memory_space<vmem>> -> memref<8x64xf32, #tpu.memory_space<vmem>>
        %dma_start3A_424 = arith.constant 0 : i32
        %dma_start3A_425 = arith.constant 0 : i32
        %dma_start3A_426 = tpu.memref_slice %arg4[%squeeze3A_419, %dma_start3A_424, %dma_start3A_425] : memref<125000x8x64xf32, #tpu.memory_space<hbm>> -> memref<1x8x64xf32, #tpu.memory_space<hbm>>
        %dma_start3A_427 = tpu.memref_squeeze %dma_start3A_426 : memref<1x8x64xf32, #tpu.memory_space<hbm>> -> memref<8x64xf32, #tpu.memory_space<hbm>>
        %dma_start3A_428 = arith.constant 0 : i32
        %dma_start3A_429 = arith.constant 0 : i32
        %dma_start3A_430 = tpu.memref_slice %arg12[%add3A_417, %dma_start3A_428, %dma_start3A_429] : memref<32x8x64xf32, #tpu.memory_space<vmem>> -> memref<1x8x64xf32, #tpu.memory_space<vmem>>
        %dma_start3A_431 = tpu.memref_squeeze %dma_start3A_430 : memref<1x8x64xf32, #tpu.memory_space<vmem>> -> memref<8x64xf32, #tpu.memory_space<vmem>>
        %dma_start3A_432 = arith.constant 0 : i32
        %dma_start3A_433 = arith.constant 0 : i32
        %dma_start3A_434 = tpu.memref_slice %arg4[%squeeze3A_419, %dma_start3A_432, %dma_start3A_433] : memref<125000x8x64xf32, #tpu.memory_space<hbm>> -> memref<1x8x64xf32, #tpu.memory_space<hbm>>
        %dma_start3A_435 = tpu.memref_squeeze %dma_start3A_434 : memref<1x8x64xf32, #tpu.memory_space<hbm>> -> memref<8x64xf32, #tpu.memory_space<hbm>>
        tpu.enqueue_dma source(%dma_start3A_435 : memref<8x64xf32, #tpu.memory_space<hbm>>) target(%dma_start3A_431 : memref<8x64xf32, #tpu.memory_space<vmem>>) target_semaphore(%arg18 : memref<!tpu.dma_semaphore, #tpu.memory_space<semaphore_mem>>)
        %slice3A_436 = vector.extract_strided_slice %mul3A_194 {offsets = [6], sizes = [1], strides = [1]} : vector<16xi32> to vector<1xi32>
        %squeeze3A_437 = vector.extract %slice3A_436[0] : i32 from vector<1xi32>
        %multiple_of3A_438 = tpu.assume_multiple %squeeze3A_437, 8 : i32
        %dma_start3A_439 = arith.constant 0 : i32
        %dma_start3A_440 = arith.constant 0 : i32
        %dma_start3A_441 = tpu.memref_slice %arg13[%add3A_417, %dma_start3A_439, %dma_start3A_440] : memref<32x8x64xf32, #tpu.memory_space<vmem>> -> memref<1x8x64xf32, #tpu.memory_space<vmem>>
        %dma_start3A_442 = tpu.memref_squeeze %dma_start3A_441 : memref<1x8x64xf32, #tpu.memory_space<vmem>> -> memref<8x64xf32, #tpu.memory_space<vmem>>
        %dma_start3A_443 = arith.constant 0 : i32
        %dma_start3A_444 = tpu.memref_slice %arg5[%multiple_of3A_438, %dma_start3A_443] : memref<1000000x64xf32, #tpu.memory_space<hbm>> -> memref<8x64xf32, #tpu.memory_space<hbm>>
        %dma_start3A_445 = arith.constant 0 : i32
        %dma_start3A_446 = arith.constant 0 : i32
        %dma_start3A_447 = tpu.memref_slice %arg13[%add3A_417, %dma_start3A_445, %dma_start3A_446] : memref<32x8x64xf32, #tpu.memory_space<vmem>> -> memref<1x8x64xf32, #tpu.memory_space<vmem>>
        %dma_start3A_448 = tpu.memref_squeeze %dma_start3A_447 : memref<1x8x64xf32, #tpu.memory_space<vmem>> -> memref<8x64xf32, #tpu.memory_space<vmem>>
        %dma_start3A_449 = arith.constant 0 : i32
        %dma_start3A_450 = tpu.memref_slice %arg5[%multiple_of3A_438, %dma_start3A_449] : memref<1000000x64xf32, #tpu.memory_space<hbm>> -> memref<8x64xf32, #tpu.memory_space<hbm>>
        tpu.enqueue_dma source(%dma_start3A_450 : memref<8x64xf32, #tpu.memory_space<hbm>>) target(%dma_start3A_448 : memref<8x64xf32, #tpu.memory_space<vmem>>) target_semaphore(%arg18 : memref<!tpu.dma_semaphore, #tpu.memory_space<semaphore_mem>>)
        %mul3A_451 = arith.constant 16 : i32
        %mul3A_452 = arith.muli %scan3A_167, %mul3A_451 : i32
        %add3A_453 = arith.constant 7 : i32
        %add3A_454 = arith.addi %mul3A_452, %add3A_453 : i32
        %slice3A_455 = vector.extract_strided_slice %shift_right_arithmetic3A_188 {offsets = [7], sizes = [1], strides = [1]} : vector<16xi32> to vector<1xi32>
        %squeeze3A_456 = vector.extract %slice3A_455[0] : i32 from vector<1xi32>
        %dma_start3A_457 = arith.constant 0 : i32
        %dma_start3A_458 = arith.constant 0 : i32
        %dma_start3A_459 = tpu.memref_slice %arg12[%add3A_454, %dma_start3A_457, %dma_start3A_458] : memref<32x8x64xf32, #tpu.memory_space<vmem>> -> memref<1x8x64xf32, #tpu.memory_space<vmem>>
        %dma_start3A_460 = tpu.memref_squeeze %dma_start3A_459 : memref<1x8x64xf32, #tpu.memory_space<vmem>> -> memref<8x64xf32, #tpu.memory_space<vmem>>
        %dma_start3A_461 = arith.constant 0 : i32
        %dma_start3A_462 = arith.constant 0 : i32
        %dma_start3A_463 = tpu.memref_slice %arg4[%squeeze3A_456, %dma_start3A_461, %dma_start3A_462] : memref<125000x8x64xf32, #tpu.memory_space<hbm>> -> memref<1x8x64xf32, #tpu.memory_space<hbm>>
        %dma_start3A_464 = tpu.memref_squeeze %dma_start3A_463 : memref<1x8x64xf32, #tpu.memory_space<hbm>> -> memref<8x64xf32, #tpu.memory_space<hbm>>
        %dma_start3A_465 = arith.constant 0 : i32
        %dma_start3A_466 = arith.constant 0 : i32
        %dma_start3A_467 = tpu.memref_slice %arg12[%add3A_454, %dma_start3A_465, %dma_start3A_466] : memref<32x8x64xf32, #tpu.memory_space<vmem>> -> memref<1x8x64xf32, #tpu.memory_space<vmem>>
        %dma_start3A_468 = tpu.memref_squeeze %dma_start3A_467 : memref<1x8x64xf32, #tpu.memory_space<vmem>> -> memref<8x64xf32, #tpu.memory_space<vmem>>
        %dma_start3A_469 = arith.constant 0 : i32
        %dma_start3A_470 = arith.constant 0 : i32
        %dma_start3A_471 = tpu.memref_slice %arg4[%squeeze3A_456, %dma_start3A_469, %dma_start3A_470] : memref<125000x8x64xf32, #tpu.memory_space<hbm>> -> memref<1x8x64xf32, #tpu.memory_space<hbm>>
        %dma_start3A_472 = tpu.memref_squeeze %dma_start3A_471 : memref<1x8x64xf32, #tpu.memory_space<hbm>> -> memref<8x64xf32, #tpu.memory_space<hbm>>
        tpu.enqueue_dma source(%dma_start3A_472 : memref<8x64xf32, #tpu.memory_space<hbm>>) target(%dma_start3A_468 : memref<8x64xf32, #tpu.memory_space<vmem>>) target_semaphore(%arg18 : memref<!tpu.dma_semaphore, #tpu.memory_space<semaphore_mem>>)
        %slice3A_473 = vector.extract_strided_slice %mul3A_194 {offsets = [7], sizes = [1], strides = [1]} : vector<16xi32> to vector<1xi32>
        %squeeze3A_474 = vector.extract %slice3A_473[0] : i32 from vector<1xi32>
        %multiple_of3A_475 = tpu.assume_multiple %squeeze3A_474, 8 : i32
        %dma_start3A_476 = arith.constant 0 : i32
        %dma_start3A_477 = arith.constant 0 : i32
        %dma_start3A_478 = tpu.memref_slice %arg13[%add3A_454, %dma_start3A_476, %dma_start3A_477] : memref<32x8x64xf32, #tpu.memory_space<vmem>> -> memref<1x8x64xf32, #tpu.memory_space<vmem>>
        %dma_start3A_479 = tpu.memref_squeeze %dma_start3A_478 : memref<1x8x64xf32, #tpu.memory_space<vmem>> -> memref<8x64xf32, #tpu.memory_space<vmem>>
        %dma_start3A_480 = arith.constant 0 : i32
        %dma_start3A_481 = tpu.memref_slice %arg5[%multiple_of3A_475, %dma_start3A_480] : memref<1000000x64xf32, #tpu.memory_space<hbm>> -> memref<8x64xf32, #tpu.memory_space<hbm>>
        %dma_start3A_482 = arith.constant 0 : i32
        %dma_start3A_483 = arith.constant 0 : i32
        %dma_start3A_484 = tpu.memref_slice %arg13[%add3A_454, %dma_start3A_482, %dma_start3A_483] : memref<32x8x64xf32, #tpu.memory_space<vmem>> -> memref<1x8x64xf32, #tpu.memory_space<vmem>>
        %dma_start3A_485 = tpu.memref_squeeze %dma_start3A_484 : memref<1x8x64xf32, #tpu.memory_space<vmem>> -> memref<8x64xf32, #tpu.memory_space<vmem>>
        %dma_start3A_486 = arith.constant 0 : i32
        %dma_start3A_487 = tpu.memref_slice %arg5[%multiple_of3A_475, %dma_start3A_486] : memref<1000000x64xf32, #tpu.memory_space<hbm>> -> memref<8x64xf32, #tpu.memory_space<hbm>>
        tpu.enqueue_dma source(%dma_start3A_487 : memref<8x64xf32, #tpu.memory_space<hbm>>) target(%dma_start3A_485 : memref<8x64xf32, #tpu.memory_space<vmem>>) target_semaphore(%arg18 : memref<!tpu.dma_semaphore, #tpu.memory_space<semaphore_mem>>)
        %mul3A_488 = arith.constant 16 : i32
        %mul3A_489 = arith.muli %scan3A_167, %mul3A_488 : i32
        %add3A_490 = arith.constant 8 : i32
        %add3A_491 = arith.addi %mul3A_489, %add3A_490 : i32
        %slice3A_492 = vector.extract_strided_slice %shift_right_arithmetic3A_188 {offsets = [8], sizes = [1], strides = [1]} : vector<16xi32> to vector<1xi32>
        %squeeze3A_493 = vector.extract %slice3A_492[0] : i32 from vector<1xi32>
        %dma_start3A_494 = arith.constant 0 : i32
        %dma_start3A_495 = arith.constant 0 : i32
        %dma_start3A_496 = tpu.memref_slice %arg12[%add3A_491, %dma_start3A_494, %dma_start3A_495] : memref<32x8x64xf32, #tpu.memory_space<vmem>> -> memref<1x8x64xf32, #tpu.memory_space<vmem>>
        %dma_start3A_497 = tpu.memref_squeeze %dma_start3A_496 : memref<1x8x64xf32, #tpu.memory_space<vmem>> -> memref<8x64xf32, #tpu.memory_space<vmem>>
        %dma_start3A_498 = arith.constant 0 : i32
        %dma_start3A_499 = arith.constant 0 : i32
        %dma_start3A_500 = tpu.memref_slice %arg4[%squeeze3A_493, %dma_start3A_498, %dma_start3A_499] : memref<125000x8x64xf32, #tpu.memory_space<hbm>> -> memref<1x8x64xf32, #tpu.memory_space<hbm>>
        %dma_start3A_501 = tpu.memref_squeeze %dma_start3A_500 : memref<1x8x64xf32, #tpu.memory_space<hbm>> -> memref<8x64xf32, #tpu.memory_space<hbm>>
        %dma_start3A_502 = arith.constant 0 : i32
        %dma_start3A_503 = arith.constant 0 : i32
        %dma_start3A_504 = tpu.memref_slice %arg12[%add3A_491, %dma_start3A_502, %dma_start3A_503] : memref<32x8x64xf32, #tpu.memory_space<vmem>> -> memref<1x8x64xf32, #tpu.memory_space<vmem>>
        %dma_start3A_505 = tpu.memref_squeeze %dma_start3A_504 : memref<1x8x64xf32, #tpu.memory_space<vmem>> -> memref<8x64xf32, #tpu.memory_space<vmem>>
        %dma_start3A_506 = arith.constant 0 : i32
        %dma_start3A_507 = arith.constant 0 : i32
        %dma_start3A_508 = tpu.memref_slice %arg4[%squeeze3A_493, %dma_start3A_506, %dma_start3A_507] : memref<125000x8x64xf32, #tpu.memory_space<hbm>> -> memref<1x8x64xf32, #tpu.memory_space<hbm>>
        %dma_start3A_509 = tpu.memref_squeeze %dma_start3A_508 : memref<1x8x64xf32, #tpu.memory_space<hbm>> -> memref<8x64xf32, #tpu.memory_space<hbm>>
        tpu.enqueue_dma source(%dma_start3A_509 : memref<8x64xf32, #tpu.memory_space<hbm>>) target(%dma_start3A_505 : memref<8x64xf32, #tpu.memory_space<vmem>>) target_semaphore(%arg18 : memref<!tpu.dma_semaphore, #tpu.memory_space<semaphore_mem>>)
        %slice3A_510 = vector.extract_strided_slice %mul3A_194 {offsets = [8], sizes = [1], strides = [1]} : vector<16xi32> to vector<1xi32>
        %squeeze3A_511 = vector.extract %slice3A_510[0] : i32 from vector<1xi32>
        %multiple_of3A_512 = tpu.assume_multiple %squeeze3A_511, 8 : i32
        %dma_start3A_513 = arith.constant 0 : i32
        %dma_start3A_514 = arith.constant 0 : i32
        %dma_start3A_515 = tpu.memref_slice %arg13[%add3A_491, %dma_start3A_513, %dma_start3A_514] : memref<32x8x64xf32, #tpu.memory_space<vmem>> -> memref<1x8x64xf32, #tpu.memory_space<vmem>>
        %dma_start3A_516 = tpu.memref_squeeze %dma_start3A_515 : memref<1x8x64xf32, #tpu.memory_space<vmem>> -> memref<8x64xf32, #tpu.memory_space<vmem>>
        %dma_start3A_517 = arith.constant 0 : i32
        %dma_start3A_518 = tpu.memref_slice %arg5[%multiple_of3A_512, %dma_start3A_517] : memref<1000000x64xf32, #tpu.memory_space<hbm>> -> memref<8x64xf32, #tpu.memory_space<hbm>>
        %dma_start3A_519 = arith.constant 0 : i32
        %dma_start3A_520 = arith.constant 0 : i32
        %dma_start3A_521 = tpu.memref_slice %arg13[%add3A_491, %dma_start3A_519, %dma_start3A_520] : memref<32x8x64xf32, #tpu.memory_space<vmem>> -> memref<1x8x64xf32, #tpu.memory_space<vmem>>
        %dma_start3A_522 = tpu.memref_squeeze %dma_start3A_521 : memref<1x8x64xf32, #tpu.memory_space<vmem>> -> memref<8x64xf32, #tpu.memory_space<vmem>>
        %dma_start3A_523 = arith.constant 0 : i32
        %dma_start3A_524 = tpu.memref_slice %arg5[%multiple_of3A_512, %dma_start3A_523] : memref<1000000x64xf32, #tpu.memory_space<hbm>> -> memref<8x64xf32, #tpu.memory_space<hbm>>
        tpu.enqueue_dma source(%dma_start3A_524 : memref<8x64xf32, #tpu.memory_space<hbm>>) target(%dma_start3A_522 : memref<8x64xf32, #tpu.memory_space<vmem>>) target_semaphore(%arg18 : memref<!tpu.dma_semaphore, #tpu.memory_space<semaphore_mem>>)
        %mul3A_525 = arith.constant 16 : i32
        %mul3A_526 = arith.muli %scan3A_167, %mul3A_525 : i32
        %add3A_527 = arith.constant 9 : i32
        %add3A_528 = arith.addi %mul3A_526, %add3A_527 : i32
        %slice3A_529 = vector.extract_strided_slice %shift_right_arithmetic3A_188 {offsets = [9], sizes = [1], strides = [1]} : vector<16xi32> to vector<1xi32>
        %squeeze3A_530 = vector.extract %slice3A_529[0] : i32 from vector<1xi32>
        %dma_start3A_531 = arith.constant 0 : i32
        %dma_start3A_532 = arith.constant 0 : i32
        %dma_start3A_533 = tpu.memref_slice %arg12[%add3A_528, %dma_start3A_531, %dma_start3A_532] : memref<32x8x64xf32, #tpu.memory_space<vmem>> -> memref<1x8x64xf32, #tpu.memory_space<vmem>>
        %dma_start3A_534 = tpu.memref_squeeze %dma_start3A_533 : memref<1x8x64xf32, #tpu.memory_space<vmem>> -> memref<8x64xf32, #tpu.memory_space<vmem>>
        %dma_start3A_535 = arith.constant 0 : i32
        %dma_start3A_536 = arith.constant 0 : i32
        %dma_start3A_537 = tpu.memref_slice %arg4[%squeeze3A_530, %dma_start3A_535, %dma_start3A_536] : memref<125000x8x64xf32, #tpu.memory_space<hbm>> -> memref<1x8x64xf32, #tpu.memory_space<hbm>>
        %dma_start3A_538 = tpu.memref_squeeze %dma_start3A_537 : memref<1x8x64xf32, #tpu.memory_space<hbm>> -> memref<8x64xf32, #tpu.memory_space<hbm>>
        %dma_start3A_539 = arith.constant 0 : i32
        %dma_start3A_540 = arith.constant 0 : i32
        %dma_start3A_541 = tpu.memref_slice %arg12[%add3A_528, %dma_start3A_539, %dma_start3A_540] : memref<32x8x64xf32, #tpu.memory_space<vmem>> -> memref<1x8x64xf32, #tpu.memory_space<vmem>>
        %dma_start3A_542 = tpu.memref_squeeze %dma_start3A_541 : memref<1x8x64xf32, #tpu.memory_space<vmem>> -> memref<8x64xf32, #tpu.memory_space<vmem>>
        %dma_start3A_543 = arith.constant 0 : i32
        %dma_start3A_544 = arith.constant 0 : i32
        %dma_start3A_545 = tpu.memref_slice %arg4[%squeeze3A_530, %dma_start3A_543, %dma_start3A_544] : memref<125000x8x64xf32, #tpu.memory_space<hbm>> -> memref<1x8x64xf32, #tpu.memory_space<hbm>>
        %dma_start3A_546 = tpu.memref_squeeze %dma_start3A_545 : memref<1x8x64xf32, #tpu.memory_space<hbm>> -> memref<8x64xf32, #tpu.memory_space<hbm>>
        tpu.enqueue_dma source(%dma_start3A_546 : memref<8x64xf32, #tpu.memory_space<hbm>>) target(%dma_start3A_542 : memref<8x64xf32, #tpu.memory_space<vmem>>) target_semaphore(%arg18 : memref<!tpu.dma_semaphore, #tpu.memory_space<semaphore_mem>>)
        %slice3A_547 = vector.extract_strided_slice %mul3A_194 {offsets = [9], sizes = [1], strides = [1]} : vector<16xi32> to vector<1xi32>
        %squeeze3A_548 = vector.extract %slice3A_547[0] : i32 from vector<1xi32>
        %multiple_of3A_549 = tpu.assume_multiple %squeeze3A_548, 8 : i32
        %dma_start3A_550 = arith.constant 0 : i32
        %dma_start3A_551 = arith.constant 0 : i32
        %dma_start3A_552 = tpu.memref_slice %arg13[%add3A_528, %dma_start3A_550, %dma_start3A_551] : memref<32x8x64xf32, #tpu.memory_space<vmem>> -> memref<1x8x64xf32, #tpu.memory_space<vmem>>
        %dma_start3A_553 = tpu.memref_squeeze %dma_start3A_552 : memref<1x8x64xf32, #tpu.memory_space<vmem>> -> memref<8x64xf32, #tpu.memory_space<vmem>>
        %dma_start3A_554 = arith.constant 0 : i32
        %dma_start3A_555 = tpu.memref_slice %arg5[%multiple_of3A_549, %dma_start3A_554] : memref<1000000x64xf32, #tpu.memory_space<hbm>> -> memref<8x64xf32, #tpu.memory_space<hbm>>
        %dma_start3A_556 = arith.constant 0 : i32
        %dma_start3A_557 = arith.constant 0 : i32
        %dma_start3A_558 = tpu.memref_slice %arg13[%add3A_528, %dma_start3A_556, %dma_start3A_557] : memref<32x8x64xf32, #tpu.memory_space<vmem>> -> memref<1x8x64xf32, #tpu.memory_space<vmem>>
        %dma_start3A_559 = tpu.memref_squeeze %dma_start3A_558 : memref<1x8x64xf32, #tpu.memory_space<vmem>> -> memref<8x64xf32, #tpu.memory_space<vmem>>
        %dma_start3A_560 = arith.constant 0 : i32
        %dma_start3A_561 = tpu.memref_slice %arg5[%multiple_of3A_549, %dma_start3A_560] : memref<1000000x64xf32, #tpu.memory_space<hbm>> -> memref<8x64xf32, #tpu.memory_space<hbm>>
        tpu.enqueue_dma source(%dma_start3A_561 : memref<8x64xf32, #tpu.memory_space<hbm>>) target(%dma_start3A_559 : memref<8x64xf32, #tpu.memory_space<vmem>>) target_semaphore(%arg18 : memref<!tpu.dma_semaphore, #tpu.memory_space<semaphore_mem>>)
        %mul3A_562 = arith.constant 16 : i32
        %mul3A_563 = arith.muli %scan3A_167, %mul3A_562 : i32
        %add3A_564 = arith.constant 10 : i32
        %add3A_565 = arith.addi %mul3A_563, %add3A_564 : i32
        %slice3A_566 = vector.extract_strided_slice %shift_right_arithmetic3A_188 {offsets = [10], sizes = [1], strides = [1]} : vector<16xi32> to vector<1xi32>
        %squeeze3A_567 = vector.extract %slice3A_566[0] : i32 from vector<1xi32>
        %dma_start3A_568 = arith.constant 0 : i32
        %dma_start3A_569 = arith.constant 0 : i32
        %dma_start3A_570 = tpu.memref_slice %arg12[%add3A_565, %dma_start3A_568, %dma_start3A_569] : memref<32x8x64xf32, #tpu.memory_space<vmem>> -> memref<1x8x64xf32, #tpu.memory_space<vmem>>
        %dma_start3A_571 = tpu.memref_squeeze %dma_start3A_570 : memref<1x8x64xf32, #tpu.memory_space<vmem>> -> memref<8x64xf32, #tpu.memory_space<vmem>>
        %dma_start3A_572 = arith.constant 0 : i32
        %dma_start3A_573 = arith.constant 0 : i32
        %dma_start3A_574 = tpu.memref_slice %arg4[%squeeze3A_567, %dma_start3A_572, %dma_start3A_573] : memref<125000x8x64xf32, #tpu.memory_space<hbm>> -> memref<1x8x64xf32, #tpu.memory_space<hbm>>
        %dma_start3A_575 = tpu.memref_squeeze %dma_start3A_574 : memref<1x8x64xf32, #tpu.memory_space<hbm>> -> memref<8x64xf32, #tpu.memory_space<hbm>>
        %dma_start3A_576 = arith.constant 0 : i32
        %dma_start3A_577 = arith.constant 0 : i32
        %dma_start3A_578 = tpu.memref_slice %arg12[%add3A_565, %dma_start3A_576, %dma_start3A_577] : memref<32x8x64xf32, #tpu.memory_space<vmem>> -> memref<1x8x64xf32, #tpu.memory_space<vmem>>
        %dma_start3A_579 = tpu.memref_squeeze %dma_start3A_578 : memref<1x8x64xf32, #tpu.memory_space<vmem>> -> memref<8x64xf32, #tpu.memory_space<vmem>>
        %dma_start3A_580 = arith.constant 0 : i32
        %dma_start3A_581 = arith.constant 0 : i32
        %dma_start3A_582 = tpu.memref_slice %arg4[%squeeze3A_567, %dma_start3A_580, %dma_start3A_581] : memref<125000x8x64xf32, #tpu.memory_space<hbm>> -> memref<1x8x64xf32, #tpu.memory_space<hbm>>
        %dma_start3A_583 = tpu.memref_squeeze %dma_start3A_582 : memref<1x8x64xf32, #tpu.memory_space<hbm>> -> memref<8x64xf32, #tpu.memory_space<hbm>>
        tpu.enqueue_dma source(%dma_start3A_583 : memref<8x64xf32, #tpu.memory_space<hbm>>) target(%dma_start3A_579 : memref<8x64xf32, #tpu.memory_space<vmem>>) target_semaphore(%arg18 : memref<!tpu.dma_semaphore, #tpu.memory_space<semaphore_mem>>)
        %slice3A_584 = vector.extract_strided_slice %mul3A_194 {offsets = [10], sizes = [1], strides = [1]} : vector<16xi32> to vector<1xi32>
        %squeeze3A_585 = vector.extract %slice3A_584[0] : i32 from vector<1xi32>
        %multiple_of3A_586 = tpu.assume_multiple %squeeze3A_585, 8 : i32
        %dma_start3A_587 = arith.constant 0 : i32
        %dma_start3A_588 = arith.constant 0 : i32
        %dma_start3A_589 = tpu.memref_slice %arg13[%add3A_565, %dma_start3A_587, %dma_start3A_588] : memref<32x8x64xf32, #tpu.memory_space<vmem>> -> memref<1x8x64xf32, #tpu.memory_space<vmem>>
        %dma_start3A_590 = tpu.memref_squeeze %dma_start3A_589 : memref<1x8x64xf32, #tpu.memory_space<vmem>> -> memref<8x64xf32, #tpu.memory_space<vmem>>
        %dma_start3A_591 = arith.constant 0 : i32
        %dma_start3A_592 = tpu.memref_slice %arg5[%multiple_of3A_586, %dma_start3A_591] : memref<1000000x64xf32, #tpu.memory_space<hbm>> -> memref<8x64xf32, #tpu.memory_space<hbm>>
        %dma_start3A_593 = arith.constant 0 : i32
        %dma_start3A_594 = arith.constant 0 : i32
        %dma_start3A_595 = tpu.memref_slice %arg13[%add3A_565, %dma_start3A_593, %dma_start3A_594] : memref<32x8x64xf32, #tpu.memory_space<vmem>> -> memref<1x8x64xf32, #tpu.memory_space<vmem>>
        %dma_start3A_596 = tpu.memref_squeeze %dma_start3A_595 : memref<1x8x64xf32, #tpu.memory_space<vmem>> -> memref<8x64xf32, #tpu.memory_space<vmem>>
        %dma_start3A_597 = arith.constant 0 : i32
        %dma_start3A_598 = tpu.memref_slice %arg5[%multiple_of3A_586, %dma_start3A_597] : memref<1000000x64xf32, #tpu.memory_space<hbm>> -> memref<8x64xf32, #tpu.memory_space<hbm>>
        tpu.enqueue_dma source(%dma_start3A_598 : memref<8x64xf32, #tpu.memory_space<hbm>>) target(%dma_start3A_596 : memref<8x64xf32, #tpu.memory_space<vmem>>) target_semaphore(%arg18 : memref<!tpu.dma_semaphore, #tpu.memory_space<semaphore_mem>>)
        %mul3A_599 = arith.constant 16 : i32
        %mul3A_600 = arith.muli %scan3A_167, %mul3A_599 : i32
        %add3A_601 = arith.constant 11 : i32
        %add3A_602 = arith.addi %mul3A_600, %add3A_601 : i32
        %slice3A_603 = vector.extract_strided_slice %shift_right_arithmetic3A_188 {offsets = [11], sizes = [1], strides = [1]} : vector<16xi32> to vector<1xi32>
        %squeeze3A_604 = vector.extract %slice3A_603[0] : i32 from vector<1xi32>
        %dma_start3A_605 = arith.constant 0 : i32
        %dma_start3A_606 = arith.constant 0 : i32
        %dma_start3A_607 = tpu.memref_slice %arg12[%add3A_602, %dma_start3A_605, %dma_start3A_606] : memref<32x8x64xf32, #tpu.memory_space<vmem>> -> memref<1x8x64xf32, #tpu.memory_space<vmem>>
        %dma_start3A_608 = tpu.memref_squeeze %dma_start3A_607 : memref<1x8x64xf32, #tpu.memory_space<vmem>> -> memref<8x64xf32, #tpu.memory_space<vmem>>
        %dma_start3A_609 = arith.constant 0 : i32
        %dma_start3A_610 = arith.constant 0 : i32
        %dma_start3A_611 = tpu.memref_slice %arg4[%squeeze3A_604, %dma_start3A_609, %dma_start3A_610] : memref<125000x8x64xf32, #tpu.memory_space<hbm>> -> memref<1x8x64xf32, #tpu.memory_space<hbm>>
        %dma_start3A_612 = tpu.memref_squeeze %dma_start3A_611 : memref<1x8x64xf32, #tpu.memory_space<hbm>> -> memref<8x64xf32, #tpu.memory_space<hbm>>
        %dma_start3A_613 = arith.constant 0 : i32
        %dma_start3A_614 = arith.constant 0 : i32
        %dma_start3A_615 = tpu.memref_slice %arg12[%add3A_602, %dma_start3A_613, %dma_start3A_614] : memref<32x8x64xf32, #tpu.memory_space<vmem>> -> memref<1x8x64xf32, #tpu.memory_space<vmem>>
        %dma_start3A_616 = tpu.memref_squeeze %dma_start3A_615 : memref<1x8x64xf32, #tpu.memory_space<vmem>> -> memref<8x64xf32, #tpu.memory_space<vmem>>
        %dma_start3A_617 = arith.constant 0 : i32
        %dma_start3A_618 = arith.constant 0 : i32
        %dma_start3A_619 = tpu.memref_slice %arg4[%squeeze3A_604, %dma_start3A_617, %dma_start3A_618] : memref<125000x8x64xf32, #tpu.memory_space<hbm>> -> memref<1x8x64xf32, #tpu.memory_space<hbm>>
        %dma_start3A_620 = tpu.memref_squeeze %dma_start3A_619 : memref<1x8x64xf32, #tpu.memory_space<hbm>> -> memref<8x64xf32, #tpu.memory_space<hbm>>
        tpu.enqueue_dma source(%dma_start3A_620 : memref<8x64xf32, #tpu.memory_space<hbm>>) target(%dma_start3A_616 : memref<8x64xf32, #tpu.memory_space<vmem>>) target_semaphore(%arg18 : memref<!tpu.dma_semaphore, #tpu.memory_space<semaphore_mem>>)
        %slice3A_621 = vector.extract_strided_slice %mul3A_194 {offsets = [11], sizes = [1], strides = [1]} : vector<16xi32> to vector<1xi32>
        %squeeze3A_622 = vector.extract %slice3A_621[0] : i32 from vector<1xi32>
        %multiple_of3A_623 = tpu.assume_multiple %squeeze3A_622, 8 : i32
        %dma_start3A_624 = arith.constant 0 : i32
        %dma_start3A_625 = arith.constant 0 : i32
        %dma_start3A_626 = tpu.memref_slice %arg13[%add3A_602, %dma_start3A_624, %dma_start3A_625] : memref<32x8x64xf32, #tpu.memory_space<vmem>> -> memref<1x8x64xf32, #tpu.memory_space<vmem>>
        %dma_start3A_627 = tpu.memref_squeeze %dma_start3A_626 : memref<1x8x64xf32, #tpu.memory_space<vmem>> -> memref<8x64xf32, #tpu.memory_space<vmem>>
        %dma_start3A_628 = arith.constant 0 : i32
        %dma_start3A_629 = tpu.memref_slice %arg5[%multiple_of3A_623, %dma_start3A_628] : memref<1000000x64xf32, #tpu.memory_space<hbm>> -> memref<8x64xf32, #tpu.memory_space<hbm>>
        %dma_start3A_630 = arith.constant 0 : i32
        %dma_start3A_631 = arith.constant 0 : i32
        %dma_start3A_632 = tpu.memref_slice %arg13[%add3A_602, %dma_start3A_630, %dma_start3A_631] : memref<32x8x64xf32, #tpu.memory_space<vmem>> -> memref<1x8x64xf32, #tpu.memory_space<vmem>>
        %dma_start3A_633 = tpu.memref_squeeze %dma_start3A_632 : memref<1x8x64xf32, #tpu.memory_space<vmem>> -> memref<8x64xf32, #tpu.memory_space<vmem>>
        %dma_start3A_634 = arith.constant 0 : i32
        %dma_start3A_635 = tpu.memref_slice %arg5[%multiple_of3A_623, %dma_start3A_634] : memref<1000000x64xf32, #tpu.memory_space<hbm>> -> memref<8x64xf32, #tpu.memory_space<hbm>>
        tpu.enqueue_dma source(%dma_start3A_635 : memref<8x64xf32, #tpu.memory_space<hbm>>) target(%dma_start3A_633 : memref<8x64xf32, #tpu.memory_space<vmem>>) target_semaphore(%arg18 : memref<!tpu.dma_semaphore, #tpu.memory_space<semaphore_mem>>)
        %mul3A_636 = arith.constant 16 : i32
        %mul3A_637 = arith.muli %scan3A_167, %mul3A_636 : i32
        %add3A_638 = arith.constant 12 : i32
        %add3A_639 = arith.addi %mul3A_637, %add3A_638 : i32
        %slice3A_640 = vector.extract_strided_slice %shift_right_arithmetic3A_188 {offsets = [12], sizes = [1], strides = [1]} : vector<16xi32> to vector<1xi32>
        %squeeze3A_641 = vector.extract %slice3A_640[0] : i32 from vector<1xi32>
        %dma_start3A_642 = arith.constant 0 : i32
        %dma_start3A_643 = arith.constant 0 : i32
        %dma_start3A_644 = tpu.memref_slice %arg12[%add3A_639, %dma_start3A_642, %dma_start3A_643] : memref<32x8x64xf32, #tpu.memory_space<vmem>> -> memref<1x8x64xf32, #tpu.memory_space<vmem>>
        %dma_start3A_645 = tpu.memref_squeeze %dma_start3A_644 : memref<1x8x64xf32, #tpu.memory_space<vmem>> -> memref<8x64xf32, #tpu.memory_space<vmem>>
        %dma_start3A_646 = arith.constant 0 : i32
        %dma_start3A_647 = arith.constant 0 : i32
        %dma_start3A_648 = tpu.memref_slice %arg4[%squeeze3A_641, %dma_start3A_646, %dma_start3A_647] : memref<125000x8x64xf32, #tpu.memory_space<hbm>> -> memref<1x8x64xf32, #tpu.memory_space<hbm>>
        %dma_start3A_649 = tpu.memref_squeeze %dma_start3A_648 : memref<1x8x64xf32, #tpu.memory_space<hbm>> -> memref<8x64xf32, #tpu.memory_space<hbm>>
        %dma_start3A_650 = arith.constant 0 : i32
        %dma_start3A_651 = arith.constant 0 : i32
        %dma_start3A_652 = tpu.memref_slice %arg12[%add3A_639, %dma_start3A_650, %dma_start3A_651] : memref<32x8x64xf32, #tpu.memory_space<vmem>> -> memref<1x8x64xf32, #tpu.memory_space<vmem>>
        %dma_start3A_653 = tpu.memref_squeeze %dma_start3A_652 : memref<1x8x64xf32, #tpu.memory_space<vmem>> -> memref<8x64xf32, #tpu.memory_space<vmem>>
        %dma_start3A_654 = arith.constant 0 : i32
        %dma_start3A_655 = arith.constant 0 : i32
        %dma_start3A_656 = tpu.memref_slice %arg4[%squeeze3A_641, %dma_start3A_654, %dma_start3A_655] : memref<125000x8x64xf32, #tpu.memory_space<hbm>> -> memref<1x8x64xf32, #tpu.memory_space<hbm>>
        %dma_start3A_657 = tpu.memref_squeeze %dma_start3A_656 : memref<1x8x64xf32, #tpu.memory_space<hbm>> -> memref<8x64xf32, #tpu.memory_space<hbm>>
        tpu.enqueue_dma source(%dma_start3A_657 : memref<8x64xf32, #tpu.memory_space<hbm>>) target(%dma_start3A_653 : memref<8x64xf32, #tpu.memory_space<vmem>>) target_semaphore(%arg18 : memref<!tpu.dma_semaphore, #tpu.memory_space<semaphore_mem>>)
        %slice3A_658 = vector.extract_strided_slice %mul3A_194 {offsets = [12], sizes = [1], strides = [1]} : vector<16xi32> to vector<1xi32>
        %squeeze3A_659 = vector.extract %slice3A_658[0] : i32 from vector<1xi32>
        %multiple_of3A_660 = tpu.assume_multiple %squeeze3A_659, 8 : i32
        %dma_start3A_661 = arith.constant 0 : i32
        %dma_start3A_662 = arith.constant 0 : i32
        %dma_start3A_663 = tpu.memref_slice %arg13[%add3A_639, %dma_start3A_661, %dma_start3A_662] : memref<32x8x64xf32, #tpu.memory_space<vmem>> -> memref<1x8x64xf32, #tpu.memory_space<vmem>>
        %dma_start3A_664 = tpu.memref_squeeze %dma_start3A_663 : memref<1x8x64xf32, #tpu.memory_space<vmem>> -> memref<8x64xf32, #tpu.memory_space<vmem>>
        %dma_start3A_665 = arith.constant 0 : i32
        %dma_start3A_666 = tpu.memref_slice %arg5[%multiple_of3A_660, %dma_start3A_665] : memref<1000000x64xf32, #tpu.memory_space<hbm>> -> memref<8x64xf32, #tpu.memory_space<hbm>>
        %dma_start3A_667 = arith.constant 0 : i32
        %dma_start3A_668 = arith.constant 0 : i32
        %dma_start3A_669 = tpu.memref_slice %arg13[%add3A_639, %dma_start3A_667, %dma_start3A_668] : memref<32x8x64xf32, #tpu.memory_space<vmem>> -> memref<1x8x64xf32, #tpu.memory_space<vmem>>
        %dma_start3A_670 = tpu.memref_squeeze %dma_start3A_669 : memref<1x8x64xf32, #tpu.memory_space<vmem>> -> memref<8x64xf32, #tpu.memory_space<vmem>>
        %dma_start3A_671 = arith.constant 0 : i32
        %dma_start3A_672 = tpu.memref_slice %arg5[%multiple_of3A_660, %dma_start3A_671] : memref<1000000x64xf32, #tpu.memory_space<hbm>> -> memref<8x64xf32, #tpu.memory_space<hbm>>
        tpu.enqueue_dma source(%dma_start3A_672 : memref<8x64xf32, #tpu.memory_space<hbm>>) target(%dma_start3A_670 : memref<8x64xf32, #tpu.memory_space<vmem>>) target_semaphore(%arg18 : memref<!tpu.dma_semaphore, #tpu.memory_space<semaphore_mem>>)
        %mul3A_673 = arith.constant 16 : i32
        %mul3A_674 = arith.muli %scan3A_167, %mul3A_673 : i32
        %add3A_675 = arith.constant 13 : i32
        %add3A_676 = arith.addi %mul3A_674, %add3A_675 : i32
        %slice3A_677 = vector.extract_strided_slice %shift_right_arithmetic3A_188 {offsets = [13], sizes = [1], strides = [1]} : vector<16xi32> to vector<1xi32>
        %squeeze3A_678 = vector.extract %slice3A_677[0] : i32 from vector<1xi32>
        %dma_start3A_679 = arith.constant 0 : i32
        %dma_start3A_680 = arith.constant 0 : i32
        %dma_start3A_681 = tpu.memref_slice %arg12[%add3A_676, %dma_start3A_679, %dma_start3A_680] : memref<32x8x64xf32, #tpu.memory_space<vmem>> -> memref<1x8x64xf32, #tpu.memory_space<vmem>>
        %dma_start3A_682 = tpu.memref_squeeze %dma_start3A_681 : memref<1x8x64xf32, #tpu.memory_space<vmem>> -> memref<8x64xf32, #tpu.memory_space<vmem>>
        %dma_start3A_683 = arith.constant 0 : i32
        %dma_start3A_684 = arith.constant 0 : i32
        %dma_start3A_685 = tpu.memref_slice %arg4[%squeeze3A_678, %dma_start3A_683, %dma_start3A_684] : memref<125000x8x64xf32, #tpu.memory_space<hbm>> -> memref<1x8x64xf32, #tpu.memory_space<hbm>>
        %dma_start3A_686 = tpu.memref_squeeze %dma_start3A_685 : memref<1x8x64xf32, #tpu.memory_space<hbm>> -> memref<8x64xf32, #tpu.memory_space<hbm>>
        %dma_start3A_687 = arith.constant 0 : i32
        %dma_start3A_688 = arith.constant 0 : i32
        %dma_start3A_689 = tpu.memref_slice %arg12[%add3A_676, %dma_start3A_687, %dma_start3A_688] : memref<32x8x64xf32, #tpu.memory_space<vmem>> -> memref<1x8x64xf32, #tpu.memory_space<vmem>>
        %dma_start3A_690 = tpu.memref_squeeze %dma_start3A_689 : memref<1x8x64xf32, #tpu.memory_space<vmem>> -> memref<8x64xf32, #tpu.memory_space<vmem>>
        %dma_start3A_691 = arith.constant 0 : i32
        %dma_start3A_692 = arith.constant 0 : i32
        %dma_start3A_693 = tpu.memref_slice %arg4[%squeeze3A_678, %dma_start3A_691, %dma_start3A_692] : memref<125000x8x64xf32, #tpu.memory_space<hbm>> -> memref<1x8x64xf32, #tpu.memory_space<hbm>>
        %dma_start3A_694 = tpu.memref_squeeze %dma_start3A_693 : memref<1x8x64xf32, #tpu.memory_space<hbm>> -> memref<8x64xf32, #tpu.memory_space<hbm>>
        tpu.enqueue_dma source(%dma_start3A_694 : memref<8x64xf32, #tpu.memory_space<hbm>>) target(%dma_start3A_690 : memref<8x64xf32, #tpu.memory_space<vmem>>) target_semaphore(%arg18 : memref<!tpu.dma_semaphore, #tpu.memory_space<semaphore_mem>>)
        %slice3A_695 = vector.extract_strided_slice %mul3A_194 {offsets = [13], sizes = [1], strides = [1]} : vector<16xi32> to vector<1xi32>
        %squeeze3A_696 = vector.extract %slice3A_695[0] : i32 from vector<1xi32>
        %multiple_of3A_697 = tpu.assume_multiple %squeeze3A_696, 8 : i32
        %dma_start3A_698 = arith.constant 0 : i32
        %dma_start3A_699 = arith.constant 0 : i32
        %dma_start3A_700 = tpu.memref_slice %arg13[%add3A_676, %dma_start3A_698, %dma_start3A_699] : memref<32x8x64xf32, #tpu.memory_space<vmem>> -> memref<1x8x64xf32, #tpu.memory_space<vmem>>
        %dma_start3A_701 = tpu.memref_squeeze %dma_start3A_700 : memref<1x8x64xf32, #tpu.memory_space<vmem>> -> memref<8x64xf32, #tpu.memory_space<vmem>>
        %dma_start3A_702 = arith.constant 0 : i32
        %dma_start3A_703 = tpu.memref_slice %arg5[%multiple_of3A_697, %dma_start3A_702] : memref<1000000x64xf32, #tpu.memory_space<hbm>> -> memref<8x64xf32, #tpu.memory_space<hbm>>
        %dma_start3A_704 = arith.constant 0 : i32
        %dma_start3A_705 = arith.constant 0 : i32
        %dma_start3A_706 = tpu.memref_slice %arg13[%add3A_676, %dma_start3A_704, %dma_start3A_705] : memref<32x8x64xf32, #tpu.memory_space<vmem>> -> memref<1x8x64xf32, #tpu.memory_space<vmem>>
        %dma_start3A_707 = tpu.memref_squeeze %dma_start3A_706 : memref<1x8x64xf32, #tpu.memory_space<vmem>> -> memref<8x64xf32, #tpu.memory_space<vmem>>
        %dma_start3A_708 = arith.constant 0 : i32
        %dma_start3A_709 = tpu.memref_slice %arg5[%multiple_of3A_697, %dma_start3A_708] : memref<1000000x64xf32, #tpu.memory_space<hbm>> -> memref<8x64xf32, #tpu.memory_space<hbm>>
        tpu.enqueue_dma source(%dma_start3A_709 : memref<8x64xf32, #tpu.memory_space<hbm>>) target(%dma_start3A_707 : memref<8x64xf32, #tpu.memory_space<vmem>>) target_semaphore(%arg18 : memref<!tpu.dma_semaphore, #tpu.memory_space<semaphore_mem>>)
        %mul3A_710 = arith.constant 16 : i32
        %mul3A_711 = arith.muli %scan3A_167, %mul3A_710 : i32
        %add3A_712 = arith.constant 14 : i32
        %add3A_713 = arith.addi %mul3A_711, %add3A_712 : i32
        %slice3A_714 = vector.extract_strided_slice %shift_right_arithmetic3A_188 {offsets = [14], sizes = [1], strides = [1]} : vector<16xi32> to vector<1xi32>
        %squeeze3A_715 = vector.extract %slice3A_714[0] : i32 from vector<1xi32>
        %dma_start3A_716 = arith.constant 0 : i32
        %dma_start3A_717 = arith.constant 0 : i32
        %dma_start3A_718 = tpu.memref_slice %arg12[%add3A_713, %dma_start3A_716, %dma_start3A_717] : memref<32x8x64xf32, #tpu.memory_space<vmem>> -> memref<1x8x64xf32, #tpu.memory_space<vmem>>
        %dma_start3A_719 = tpu.memref_squeeze %dma_start3A_718 : memref<1x8x64xf32, #tpu.memory_space<vmem>> -> memref<8x64xf32, #tpu.memory_space<vmem>>
        %dma_start3A_720 = arith.constant 0 : i32
        %dma_start3A_721 = arith.constant 0 : i32
        %dma_start3A_722 = tpu.memref_slice %arg4[%squeeze3A_715, %dma_start3A_720, %dma_start3A_721] : memref<125000x8x64xf32, #tpu.memory_space<hbm>> -> memref<1x8x64xf32, #tpu.memory_space<hbm>>
        %dma_start3A_723 = tpu.memref_squeeze %dma_start3A_722 : memref<1x8x64xf32, #tpu.memory_space<hbm>> -> memref<8x64xf32, #tpu.memory_space<hbm>>
        %dma_start3A_724 = arith.constant 0 : i32
        %dma_start3A_725 = arith.constant 0 : i32
        %dma_start3A_726 = tpu.memref_slice %arg12[%add3A_713, %dma_start3A_724, %dma_start3A_725] : memref<32x8x64xf32, #tpu.memory_space<vmem>> -> memref<1x8x64xf32, #tpu.memory_space<vmem>>
        %dma_start3A_727 = tpu.memref_squeeze %dma_start3A_726 : memref<1x8x64xf32, #tpu.memory_space<vmem>> -> memref<8x64xf32, #tpu.memory_space<vmem>>
        %dma_start3A_728 = arith.constant 0 : i32
        %dma_start3A_729 = arith.constant 0 : i32
        %dma_start3A_730 = tpu.memref_slice %arg4[%squeeze3A_715, %dma_start3A_728, %dma_start3A_729] : memref<125000x8x64xf32, #tpu.memory_space<hbm>> -> memref<1x8x64xf32, #tpu.memory_space<hbm>>
        %dma_start3A_731 = tpu.memref_squeeze %dma_start3A_730 : memref<1x8x64xf32, #tpu.memory_space<hbm>> -> memref<8x64xf32, #tpu.memory_space<hbm>>
        tpu.enqueue_dma source(%dma_start3A_731 : memref<8x64xf32, #tpu.memory_space<hbm>>) target(%dma_start3A_727 : memref<8x64xf32, #tpu.memory_space<vmem>>) target_semaphore(%arg18 : memref<!tpu.dma_semaphore, #tpu.memory_space<semaphore_mem>>)
        %slice3A_732 = vector.extract_strided_slice %mul3A_194 {offsets = [14], sizes = [1], strides = [1]} : vector<16xi32> to vector<1xi32>
        %squeeze3A_733 = vector.extract %slice3A_732[0] : i32 from vector<1xi32>
        %multiple_of3A_734 = tpu.assume_multiple %squeeze3A_733, 8 : i32
        %dma_start3A_735 = arith.constant 0 : i32
        %dma_start3A_736 = arith.constant 0 : i32
        %dma_start3A_737 = tpu.memref_slice %arg13[%add3A_713, %dma_start3A_735, %dma_start3A_736] : memref<32x8x64xf32, #tpu.memory_space<vmem>> -> memref<1x8x64xf32, #tpu.memory_space<vmem>>
        %dma_start3A_738 = tpu.memref_squeeze %dma_start3A_737 : memref<1x8x64xf32, #tpu.memory_space<vmem>> -> memref<8x64xf32, #tpu.memory_space<vmem>>
        %dma_start3A_739 = arith.constant 0 : i32
        %dma_start3A_740 = tpu.memref_slice %arg5[%multiple_of3A_734, %dma_start3A_739] : memref<1000000x64xf32, #tpu.memory_space<hbm>> -> memref<8x64xf32, #tpu.memory_space<hbm>>
        %dma_start3A_741 = arith.constant 0 : i32
        %dma_start3A_742 = arith.constant 0 : i32
        %dma_start3A_743 = tpu.memref_slice %arg13[%add3A_713, %dma_start3A_741, %dma_start3A_742] : memref<32x8x64xf32, #tpu.memory_space<vmem>> -> memref<1x8x64xf32, #tpu.memory_space<vmem>>
        %dma_start3A_744 = tpu.memref_squeeze %dma_start3A_743 : memref<1x8x64xf32, #tpu.memory_space<vmem>> -> memref<8x64xf32, #tpu.memory_space<vmem>>
        %dma_start3A_745 = arith.constant 0 : i32
        %dma_start3A_746 = tpu.memref_slice %arg5[%multiple_of3A_734, %dma_start3A_745] : memref<1000000x64xf32, #tpu.memory_space<hbm>> -> memref<8x64xf32, #tpu.memory_space<hbm>>
        tpu.enqueue_dma source(%dma_start3A_746 : memref<8x64xf32, #tpu.memory_space<hbm>>) target(%dma_start3A_744 : memref<8x64xf32, #tpu.memory_space<vmem>>) target_semaphore(%arg18 : memref<!tpu.dma_semaphore, #tpu.memory_space<semaphore_mem>>)
        %mul3A_747 = arith.constant 16 : i32
        %mul3A_748 = arith.muli %scan3A_167, %mul3A_747 : i32
        %add3A_749 = arith.constant 15 : i32
        %add3A_750 = arith.addi %mul3A_748, %add3A_749 : i32
        %slice3A_751 = vector.extract_strided_slice %shift_right_arithmetic3A_188 {offsets = [15], sizes = [1], strides = [1]} : vector<16xi32> to vector<1xi32>
        %squeeze3A_752 = vector.extract %slice3A_751[0] : i32 from vector<1xi32>
        %dma_start3A_753 = arith.constant 0 : i32
        %dma_start3A_754 = arith.constant 0 : i32
        %dma_start3A_755 = tpu.memref_slice %arg12[%add3A_750, %dma_start3A_753, %dma_start3A_754] : memref<32x8x64xf32, #tpu.memory_space<vmem>> -> memref<1x8x64xf32, #tpu.memory_space<vmem>>
        %dma_start3A_756 = tpu.memref_squeeze %dma_start3A_755 : memref<1x8x64xf32, #tpu.memory_space<vmem>> -> memref<8x64xf32, #tpu.memory_space<vmem>>
        %dma_start3A_757 = arith.constant 0 : i32
        %dma_start3A_758 = arith.constant 0 : i32
        %dma_start3A_759 = tpu.memref_slice %arg4[%squeeze3A_752, %dma_start3A_757, %dma_start3A_758] : memref<125000x8x64xf32, #tpu.memory_space<hbm>> -> memref<1x8x64xf32, #tpu.memory_space<hbm>>
        %dma_start3A_760 = tpu.memref_squeeze %dma_start3A_759 : memref<1x8x64xf32, #tpu.memory_space<hbm>> -> memref<8x64xf32, #tpu.memory_space<hbm>>
        %dma_start3A_761 = arith.constant 0 : i32
        %dma_start3A_762 = arith.constant 0 : i32
        %dma_start3A_763 = tpu.memref_slice %arg12[%add3A_750, %dma_start3A_761, %dma_start3A_762] : memref<32x8x64xf32, #tpu.memory_space<vmem>> -> memref<1x8x64xf32, #tpu.memory_space<vmem>>
        %dma_start3A_764 = tpu.memref_squeeze %dma_start3A_763 : memref<1x8x64xf32, #tpu.memory_space<vmem>> -> memref<8x64xf32, #tpu.memory_space<vmem>>
        %dma_start3A_765 = arith.constant 0 : i32
        %dma_start3A_766 = arith.constant 0 : i32
        %dma_start3A_767 = tpu.memref_slice %arg4[%squeeze3A_752, %dma_start3A_765, %dma_start3A_766] : memref<125000x8x64xf32, #tpu.memory_space<hbm>> -> memref<1x8x64xf32, #tpu.memory_space<hbm>>
        %dma_start3A_768 = tpu.memref_squeeze %dma_start3A_767 : memref<1x8x64xf32, #tpu.memory_space<hbm>> -> memref<8x64xf32, #tpu.memory_space<hbm>>
        tpu.enqueue_dma source(%dma_start3A_768 : memref<8x64xf32, #tpu.memory_space<hbm>>) target(%dma_start3A_764 : memref<8x64xf32, #tpu.memory_space<vmem>>) target_semaphore(%arg18 : memref<!tpu.dma_semaphore, #tpu.memory_space<semaphore_mem>>)
        %slice3A_769 = vector.extract_strided_slice %mul3A_194 {offsets = [15], sizes = [1], strides = [1]} : vector<16xi32> to vector<1xi32>
        %squeeze3A_770 = vector.extract %slice3A_769[0] : i32 from vector<1xi32>
        %multiple_of3A_771 = tpu.assume_multiple %squeeze3A_770, 8 : i32
        %dma_start3A_772 = arith.constant 0 : i32
        %dma_start3A_773 = arith.constant 0 : i32
        %dma_start3A_774 = tpu.memref_slice %arg13[%add3A_750, %dma_start3A_772, %dma_start3A_773] : memref<32x8x64xf32, #tpu.memory_space<vmem>> -> memref<1x8x64xf32, #tpu.memory_space<vmem>>
        %dma_start3A_775 = tpu.memref_squeeze %dma_start3A_774 : memref<1x8x64xf32, #tpu.memory_space<vmem>> -> memref<8x64xf32, #tpu.memory_space<vmem>>
        %dma_start3A_776 = arith.constant 0 : i32
        %dma_start3A_777 = tpu.memref_slice %arg5[%multiple_of3A_771, %dma_start3A_776] : memref<1000000x64xf32, #tpu.memory_space<hbm>> -> memref<8x64xf32, #tpu.memory_space<hbm>>
        %dma_start3A_778 = arith.constant 0 : i32
        %dma_start3A_779 = arith.constant 0 : i32
        %dma_start3A_780 = tpu.memref_slice %arg13[%add3A_750, %dma_start3A_778, %dma_start3A_779] : memref<32x8x64xf32, #tpu.memory_space<vmem>> -> memref<1x8x64xf32, #tpu.memory_space<vmem>>
        %dma_start3A_781 = tpu.memref_squeeze %dma_start3A_780 : memref<1x8x64xf32, #tpu.memory_space<vmem>> -> memref<8x64xf32, #tpu.memory_space<vmem>>
        %dma_start3A_782 = arith.constant 0 : i32
        %dma_start3A_783 = tpu.memref_slice %arg5[%multiple_of3A_771, %dma_start3A_782] : memref<1000000x64xf32, #tpu.memory_space<hbm>> -> memref<8x64xf32, #tpu.memory_space<hbm>>
        tpu.enqueue_dma source(%dma_start3A_783 : memref<8x64xf32, #tpu.memory_space<hbm>>) target(%dma_start3A_781 : memref<8x64xf32, #tpu.memory_space<vmem>>) target_semaphore(%arg18 : memref<!tpu.dma_semaphore, #tpu.memory_space<semaphore_mem>>)
        %scan3A_784 = arith.constant 0 : i32
        scf.yield %scan3A_784 : i32
      }
      %scan3A_142 = arith.constant 2 : i32
      %dma_wait3A_143 = arith.constant 0 : i32
      %dma_wait3A_144 = arith.constant 0 : i32
      %dma_wait3A_145 = arith.constant 0 : i32
      %dma_wait3A_146 = tpu.memref_slice %arg4[%dma_wait3A_143, %dma_wait3A_144, %dma_wait3A_145] : memref<125000x8x64xf32, #tpu.memory_space<hbm>> -> memref<32x8x64xf32, #tpu.memory_space<hbm>>
      %dma_wait3A_147 = arith.constant 0 : i32
      %dma_wait3A_148 = arith.constant 0 : i32
      %dma_wait3A_149 = arith.constant 0 : i32
      %dma_wait3A_150 = tpu.memref_slice %arg4[%dma_wait3A_147, %dma_wait3A_148, %dma_wait3A_149] : memref<125000x8x64xf32, #tpu.memory_space<hbm>> -> memref<32x8x64xf32, #tpu.memory_space<hbm>>
      tpu.wait_dma2 semaphore(%arg18 : memref<!tpu.dma_semaphore, #tpu.memory_space<semaphore_mem>>) src(%dma_wait3A_150 : memref<32x8x64xf32, #tpu.memory_space<hbm>>) dst(%arg12 : memref<32x8x64xf32, #tpu.memory_space<vmem>>)
      %dma_wait3A_151 = arith.constant 0 : i32
      %dma_wait3A_152 = arith.constant 0 : i32
      %dma_wait3A_153 = arith.constant 0 : i32
      %dma_wait3A_154 = tpu.memref_slice %arg4[%dma_wait3A_151, %dma_wait3A_152, %dma_wait3A_153] : memref<125000x8x64xf32, #tpu.memory_space<hbm>> -> memref<32x8x64xf32, #tpu.memory_space<hbm>>
      %dma_wait3A_155 = arith.constant 0 : i32
      %dma_wait3A_156 = arith.constant 0 : i32
      %dma_wait3A_157 = arith.constant 0 : i32
      %dma_wait3A_158 = tpu.memref_slice %arg4[%dma_wait3A_155, %dma_wait3A_156, %dma_wait3A_157] : memref<125000x8x64xf32, #tpu.memory_space<hbm>> -> memref<32x8x64xf32, #tpu.memory_space<hbm>>
      tpu.wait_dma2 semaphore(%arg18 : memref<!tpu.dma_semaphore, #tpu.memory_space<semaphore_mem>>) src(%dma_wait3A_158 : memref<32x8x64xf32, #tpu.memory_space<hbm>>) dst(%arg13 : memref<32x8x64xf32, #tpu.memory_space<vmem>>)
      %scan3A_159 = arith.constant 0 : i32
      %scan3A_160 = arith.constant 0 : i32
      %scan3A_161 = arith.constant 2 : i32
      %scan3A_162 = arith.addi %scan3A_160, %scan3A_161 : i32
      %scan3A_163 = arith.constant 1 : i32
      %scan3A_164 = scf.for %scan3A_167 = %scan3A_160 to %scan3A_162 step %scan3A_163 iter_args(%scan3A_168 = %scan3A_159) -> (i32)  : i32 {
        %mul3A_169 = arith.constant 32 : i32
        %mul3A_170 = arith.muli %scan3A_134, %mul3A_169 : i32
        %mul3A_171 = arith.constant 16 : i32
        %mul3A_172 = arith.muli %scan3A_167, %mul3A_171 : i32
        %add3A_173 = arith.addi %mul3A_170, %mul3A_172 : i32
        %shift_right_arithmetic3A = arith.constant 7 : i32
        %shift_right_arithmetic3A_174 = arith.shrsi %add3A_173, %shift_right_arithmetic3A : i32
        %and3A = arith.constant 127 : i32
        %and3A_175 = arith.andi %add3A_173, %and3A : i32
        %get3A_176 = arith.index_cast %shift_right_arithmetic3A_174 : i32 to index
        %get3A_177 = arith.index_cast %and3A_175 : i32 to index
        %get3A_178 = tpu.vector_load %arg10[%get3A_176, %get3A_177] {strides = array<i32>} : memref<4x128xi32, #tpu.memory_space<vmem>>, vector<16xi32>,
        %shift_right_arithmetic3A_179 = arith.constant 7 : i32
        %shift_right_arithmetic3A_180 = arith.shrsi %add3A_173, %shift_right_arithmetic3A_179 : i32
        %and3A_181 = arith.constant 127 : i32
        %and3A_182 = arith.andi %add3A_173, %and3A_181 : i32
        %get3A_183 = arith.index_cast %shift_right_arithmetic3A_180 : i32 to index
        %get3A_184 = arith.index_cast %and3A_182 : i32 to index
        %get3A_185 = tpu.vector_load %arg11[%get3A_183, %get3A_184] {strides = array<i32>} : memref<4x128xi32, #tpu.memory_space<vmem>>, vector<16xi32>,
        %and3A_186 = arith.constant 7 : i32
        %and3A_187 = vector.broadcast %and3A_186 : i32 to vector<16xi32>
        %and3A_188 = arith.andi %get3A_178, %and3A_187 : vector<16xi32>
        %and3A_189 = arith.constant 7 : i32
        %and3A_190 = vector.broadcast %and3A_189 : i32 to vector<16xi32>
        %and3A_191 = arith.andi %get3A_185, %and3A_190 : vector<16xi32>
        %mul3A_192 = arith.constant 16 : i32
        %mul3A_193 = arith.muli %scan3A_167, %mul3A_192 : i32
        %add3A_194 = vector.broadcast %mul3A_193 : i32 to vector<16xi32>
        %add3A_195 = arith.addi %add3A_194, %iota3A : vector<16xi32>
        %get3A_196 = arith.index_cast %add3A_173 : i32 to index
        %get3A_197 = tpu.vector_load %arg14[%get3A_196] {strides = array<i32>} : memref<512xf32, #tpu.memory_space<vmem>>, vector<16xf32>,
        %add3A_198 = arith.addf %get3A_127, %get3A_197 : vector<16xf32>
        %get3A_199 = arith.index_cast %add3A_173 : i32 to index
        %get3A_200 = tpu.vector_load %arg15[%get3A_199] {strides = array<i32>} : memref<512xf32, #tpu.memory_space<vmem>>, vector<16xf32>,
        %add3A_201 = arith.addf %add3A_198, %get3A_200 : vector<16xf32>
        %scan3A_202 = arith.constant 0 : i32
        %scan3A_203 = arith.constant 64 : i32
        %scan3A_204 = arith.addi %scan3A_202, %scan3A_203 : i32
        %scan3A_205 = arith.constant 1 : i32
        %scan3A_206 = scf.for %scan3A_210 = %scan3A_202 to %scan3A_204 step %scan3A_205 iter_args(%scan3A_211 = %add3A_201) -> (vector<16xf32>)  : i32 {
          %and3A_212 = arith.constant 48 : i32
          %and3A_213 = arith.andi %scan3A_210, %and3A_212 : i32
          %add3A_214 = vector.broadcast %scan3A_210 : i32 to vector<16xi32>
          %add3A_215 = arith.addi %iota3A, %add3A_214 : vector<16xi32>
          %and3A_216 = arith.constant 15 : i32
          %and3A_217 = vector.broadcast %and3A_216 : i32 to vector<16xi32>
          %and3A_218 = arith.andi %add3A_215, %and3A_217 : vector<16xi32>
          %add3A_219 = vector.broadcast %and3A_213 : i32 to vector<16xi32>
          %add3A_220 = arith.addi %add3A_219, %and3A_218 : vector<16xi32>
          %gather3A = tpu.vector_load_idx %arg12[%add3A_195, %and3A_188, %add3A_220] : memref<32x8x64xf32, #tpu.memory_space<vmem>>[vector<16xi32>, vector<16xi32>, vector<16xi32>], vector<16xf32>,
          %gather3A_221 = tpu.vector_load_idx %arg13[%add3A_195, %and3A_191, %add3A_220] : memref<32x8x64xf32, #tpu.memory_space<vmem>>[vector<16xi32>, vector<16xi32>, vector<16xi32>], vector<16xf32>,
          %mul3A_222 = arith.mulf %gather3A, %gather3A_221 : vector<16xf32>
          %add3A_223 = arith.addf %scan3A_211, %mul3A_222 : vector<16xf32>
          scf.yield %add3A_223 : vector<16xf32>
        }
        %scan3A_207 = arith.constant 64 : i32
        %swap3A = arith.index_cast %add3A_173 : i32 to index
        %swap3A_208 = tpu.vector_load %arg17[%swap3A] {strides = array<i32>} : memref<512xf32, #tpu.memory_space<vmem>>, vector<16xf32>,
        tpu.vector_store %arg17[%swap3A], %scan3A_206 {strides = array<i32>} : memref<512xf32, #tpu.memory_space<vmem>>, vector<16xf32>,
        %scan3A_209 = arith.constant 0 : i32
        scf.yield %scan3A_209 : i32
      }
      %scan3A_165 = arith.constant 2 : i32
      %scan3A_166 = arith.constant 0 : i32
      scf.yield %scan3A_166 : i32
    }
    %scan3A_133 = arith.constant 16 : i32
    "tpu.region"() ({
      %run_scoped3A = tpu.sem_alloc : memref<!tpu.dma_semaphore, #tpu.memory_space<semaphore_mem>>
      %dma_start3A_134 = arith.constant 0 : i32
      %dma_start3A_135 = tpu.memref_slice %arg9[%add3A, %dma_start3A_134] : memref<32x512xf32, #tpu.memory_space<hbm>> -> memref<1x512xf32, #tpu.memory_space<hbm>>
      %dma_start3A_136 = tpu.memref_squeeze %dma_start3A_135 : memref<1x512xf32, #tpu.memory_space<hbm>> -> memref<512xf32, #tpu.memory_space<hbm>>
      %dma_start3A_137 = arith.constant 0 : i32
      %dma_start3A_138 = tpu.memref_slice %arg9[%add3A, %dma_start3A_137] : memref<32x512xf32, #tpu.memory_space<hbm>> -> memref<1x512xf32, #tpu.memory_space<hbm>>
      %dma_start3A_139 = tpu.memref_squeeze %dma_start3A_138 : memref<1x512xf32, #tpu.memory_space<hbm>> -> memref<512xf32, #tpu.memory_space<hbm>>
      tpu.enqueue_dma source(%arg17 : memref<512xf32, #tpu.memory_space<vmem>>) target(%dma_start3A_139 : memref<512xf32, #tpu.memory_space<hbm>>) target_semaphore(%run_scoped3A : memref<!tpu.dma_semaphore, #tpu.memory_space<semaphore_mem>>)
      %dma_wait3A_140 = arith.constant 0 : i32
      %dma_wait3A_141 = tpu.memref_slice %arg9[%add3A, %dma_wait3A_140] : memref<32x512xf32, #tpu.memory_space<hbm>> -> memref<1x512xf32, #tpu.memory_space<hbm>>
      %dma_wait3A_142 = tpu.memref_squeeze %dma_wait3A_141 : memref<1x512xf32, #tpu.memory_space<hbm>> -> memref<512xf32, #tpu.memory_space<hbm>>
      %dma_wait3A_143 = arith.constant 0 : i32
      %dma_wait3A_144 = tpu.memref_slice %arg9[%add3A, %dma_wait3A_143] : memref<32x512xf32, #tpu.memory_space<hbm>> -> memref<1x512xf32, #tpu.memory_space<hbm>>
      %dma_wait3A_145 = tpu.memref_squeeze %dma_wait3A_144 : memref<1x512xf32, #tpu.memory_space<hbm>> -> memref<512xf32, #tpu.memory_space<hbm>>
      tpu.wait_dma2 semaphore(%run_scoped3A : memref<!tpu.dma_semaphore, #tpu.memory_space<semaphore_mem>>) src(%arg17 : memref<512xf32, #tpu.memory_space<vmem>>) dst(%dma_wait3A_145 : memref<512xf32, #tpu.memory_space<hbm>>)
      tpu.yield
    }) : () -> ()
    return
  }
}

</mosaic_0001>

<sc_bundles>
// kernel: _mf_sc.3.cloned.1.call-start
scs
__scs_entry_jumppad:
0x0: {  	(pc) =	sbr.rel $0x88, $3  }
0x1: {  	(tag) =	ssettag $0x0;
	lr =	simm.s32 $0x1  }
0x2: {  	[smem:$0x3F9A] =	sst lr;
	_ =	strace $0xD0000000  }
0x3: {  	_ = 	snop  }
0x4: {  	_ = 	snop  }
0x5: {  	_ = 	snop  }
0x6: {  	_ = 	snop  }
0x7: {  	_ = 	snop  }
__scs_overlays_trampoline_lowered:
0x8: {  	[smem:$0x3FA9] =	sst s0  }
0x9: {  	[smem:$0x3FAA] =	sst s1  }
0xa: {  	[smem:$0x3FAB] =	sst s2  }
0xb: {  	[smem:$0x3FAC] =	sst s3  }
0xc: {  	[smem:$0x3FAD] =	sst s4  }
0xd: {  	[smem:$0x3FAE] =	sst s5  }
0xe: {  	[smem:$0x3FAF] =	sst s6  }
0xf: {  	[smem:$0x3FB0] =	sst s7  }
0x10: {  	[smem:$0x3FB1] =	sst s8  }
0x11: {  	[smem:$0x3FB2] =	sst s9;
	s0 =	simm.s32 @!p0 $0x0  }
0x12: {  	s1 =	sld [smem:$0x3F98];
	s0 =	simm.s32 @p0 $0x1  }
0x13: {  	[smem:$0x3FB3] =	sst s0;
	s0 =	simm.s32 @!p1 $0x0  }
0x14: {  	s2 =	sld [smem:$0x3F97];
	s0 =	simm.s32 @p1 $0x1  }
0x15: {  	[smem:$0x3FB4] =	sst s0;
	s0 =	simm.s32 @!p2 $0x0  }
0x16: {  	s3 =	sld [smem:$0x3FDB];
	s0 =	simm.s32 @p2 $0x1  }
0x17: {  	s4 =	simm.s32 $0x1BF5;
	[smem:$0x3FB6] =	sst s0  }
0x18: {  	s0 =	sld [smem:$0x3F99];
	_ =	swait.ge [sflag:s4], $0x0  }
0x19: {  	s7 =	sld [smem:$0x3F9A]  }
0x1a: {  	s8 =	sadd.s32 $0xFFFFE003, lr  }
0x1b: {  	s9 =	sadd.s32 $0xFFFFFEF7, lr;
	s5 =	simm.s32 $0xFFFFFFFF;
	p2 =	slt.u32 s8, $0xFFFFF086  }
0x1c: {  	p1 =	slt.u32 s9, $0xF7A;
	s5 =	simm.s32 @!p2 $0x0  }
0x1d: {  	s5 =	simm.s32 @p1 $0x1;
	p0 =	seq.s32 s7, s2  }
0x1e: {  	s7 =	smul.u32 @!p0 $0xF7A, s2;
	p2 =	seq.s32 @!p0 s5, $0x0  }
0x1f: {  	s9 =	smul.u32 $0xF7A, s1;
	s8 =	simm.s32 @!p0 $0x1BF5;
	p2 =	por !p2, p0  }
0x20: {  	[sflag:s8] =	ssyncset.s32 @!p0 $0xFFFFF086;
	s6 =	sadd.s32 @!p0 s3, s7;
	s7 =	simm.s32 @!p0 $0x108  }
0x21: {  	s3 =	sadd.s32 s3, s9;
	s6 =	sadd.s32 @!p0 $0x88, s6;
	s7 =	simm.s32 @p2 $0x1082  }
0x22: {  	[simem:s7], [sflag:s8] =	dma.local @!p0 [hbm:s6], $0xF7A  }
0x23: {  	s9 =	sor.u32 $0xD0000000, s2;
	s6 =	simm.s32 $0x108;
	_ =	swait.ge @!p0 [sflag:s8], $0x0  }
0x24: {  	s3 =	sadd.s32 $0x88, s3;
	s6 =	simm.s32 @!p1 $0x1082;
	[sflag:s4] =	ssyncset.s32 $0xFFFFF086  }
0x25: {  	[simem:s6], [sflag:s4] =	dma.local [hbm:s3], $0xF7A  }
0x26: {  	[smem:$0x3F9A] =	sst s1;
	(tag) =	ssettag s2;
	_ =	strace s9  }
0x27: {  	s1 =	sld [smem:$0x3FAA]  }
0x28: {  	s2 =	sld [smem:$0x3FAB]  }
0x29: {  	s4 =	sld [smem:$0x3FAD]  }
0x2a: {  	p0 =	seq.s32 s5, $0x0;
	s5 =	sld [smem:$0x3FAE]  }
0x2b: {  	s6 =	sld [smem:$0x3FAF]  }
0x2c: {  	s7 =	sld [smem:$0x3FB0]  }
0x2d: {  	s3 =	simm.s32 $0x108;
	s8 =	sld [smem:$0x3FB1]  }
0x2e: {  	s3 =	simm.s32 @!p0 $0x1082;
	s9 =	sld [smem:$0x3FB2]  }
0x2f: {  	lr =	sadd.s32 s0, s3;
	s0 =	sld [smem:$0x3FA9]  }
0x30: {  	s3 =	sld [smem:$0x3FAC]  }
0x31: {  	[smem:$0x3FB5] =	sst s10  }
0x32: {  	s10 =	sld [smem:$0x3FB3];
	_ =	sdelay $0x3  }
0x33: {  	p0 =	seq.s32 s10, $0x1;
	s10 =	sld [smem:$0x3FB5];
	_ =	sdelay $0x3  }
0x34: {  	[smem:$0x3FB5] =	sst s10  }
0x35: {  	s10 =	sld [smem:$0x3FB4];
	_ =	sdelay $0x3  }
0x36: {  	p1 =	seq.s32 s10, $0x1;
	s10 =	sld [smem:$0x3FB5];
	_ =	sdelay $0x3  }
0x37: {  	[smem:$0x3FB5] =	sst s10  }
0x38: {  	s10 =	sld [smem:$0x3FB6]  }
0x39: {  	_ = 	snop;
	(pc) =	sbr.ind lr, $3  }
0x3a: {  	_ = 	snop  }
0x3b: {  	_ = 	snop  }
0x3c: {  	p2 =	seq.s32 s10, $0x1;
	s10 =	sld [smem:$0x3FB5]  }
0x3d: {  	_ =	shalt  }
0x3e: {  	_ =	shalt  }
0x3f: {  	_ =	shalt  }
0x40: {  	_ =	shalt  }
0x41: {  	_ =	shalt  }
0x42: {  	_ =	shalt  }
0x43: {  	_ =	shalt  }
0x44: {  	_ =	shalt  }
0x45: {  	_ =	shalt  }
0x46: {  	_ =	shalt  }
0x47: {  	_ =	shalt  }
0x48: {  	_ =	shalt  }
0x49: {  	_ =	shalt  }
0x4a: {  	_ =	shalt  }
0x4b: {  	_ =	shalt  }
0x4c: {  	_ =	shalt  }
0x4d: {  	_ =	shalt  }
0x4e: {  	_ =	shalt  }
0x4f: {  	_ =	shalt  }
0x50: {  	_ =	shalt  }
0x51: {  	_ =	shalt  }
0x52: {  	_ =	shalt  }
0x53: {  	_ =	shalt  }
0x54: {  	_ =	shalt  }
0x55: {  	_ =	shalt  }
0x56: {  	_ =	shalt  }
0x57: {  	_ =	shalt  }
0x58: {  	_ =	shalt  }
0x59: {  	_ =	shalt  }
0x5a: {  	_ =	shalt  }
0x5b: {  	_ =	shalt  }
0x5c: {  	_ =	shalt  }
0x5d: {  	_ =	shalt  }
0x5e: {  	_ =	shalt  }
0x5f: {  	_ =	shalt  }
0x60: {  	_ =	shalt  }
0x61: {  	_ =	shalt  }
0x62: {  	_ =	shalt  }
0x63: {  	_ =	shalt  }
0x64: {  	_ =	shalt  }
0x65: {  	_ =	shalt  }
0x66: {  	_ =	shalt  }
0x67: {  	_ =	shalt  }
0x68: {  	_ =	shalt  }
0x69: {  	_ =	shalt  }
0x6a: {  	_ =	shalt  }
0x6b: {  	_ =	shalt  }
0x6c: {  	_ =	shalt  }
0x6d: {  	_ =	shalt  }
0x6e: {  	_ =	shalt  }
0x6f: {  	_ =	shalt  }
0x70: {  	_ =	shalt  }
0x71: {  	_ =	shalt  }
0x72: {  	_ =	shalt  }
0x73: {  	_ =	shalt  }
0x74: {  	_ =	shalt  }
0x75: {  	_ =	shalt  }
0x76: {  	_ =	shalt  }
0x77: {  	_ =	shalt  }
0x78: {  	_ =	shalt  }
0x79: {  	_ =	shalt  }
0x7a: {  	_ =	shalt  }
0x7b: {  	_ =	shalt  }
0x7c: {  	_ =	shalt  }
0x7d: {  	_ =	shalt  }
0x7e: {  	_ =	shalt  }
0x7f: {  	_ =	shalt  }
0x80: {  	_ =	shalt  }
0x81: {  	_ =	shalt  }
0x82: {  	_ =	shalt  }
0x83: {  	_ =	shalt  }
0x84: {  	_ =	shalt  }
0x85: {  	_ =	shalt  }
0x86: {  	_ =	shalt  }
0x87: {  	_ =	shalt  }
.Lfunc_end0:
.L_simem_size_0:
called_computation_lowered:
.L_overlay_start_0:
0x88: {  	s2 =	sld [smem:$0x3FD9]  }
0x89: {  	s3 =	sld [smem:$0x3FFE];
	_ =	sdelay $0x1  }
0x8a: {  	s1 =	srdreg.scid  }
0x8b: {  	s0 =	sand.u32 $0x1, s1  }
0x8c: {  	s17 =	sshll.u32 s0, $0xA;
	s2 =	sadd.s32 s3, s2  }
0x8d: {  	s2 =	sadd.s32 s2, s17  }
0x8e: {  	[smem:$0x3FC1] =	sst s2  }
0x8f: {  	_ = 	snop  }
0x90: {  	s2 =	sld [smem:$0x3FC9]  }
0x91: {  	s18 =	sld [smem:$0x3FC8]  }
0x92: {  	s4 =	sld [smem:$0x3FC5]  }
0x93: {  	s5 =	sld [smem:$0x3FC4]  }
0x94: {  	s6 =	sld [smem:$0x3FC3]  }
0x95: {  	s7 =	sld [smem:$0x3FD0];
	(tm) =	ssettm $0x1  }
0x96: {  	s8 =	sld [smem:$0x3FFB];
	_ =	sdelay $0x3  }
0x97: {  	_ =	strace s8  }
0x98: {  	s8 =	sld [smem:$0x3FFC];
	_ =	sdelay $0x3  }
0x99: {  	_ =	strace s8  }
0x9a: {  	s8 =	sld [smem:$0x3FFD];
	_ =	sdelay $0x3  }
0x9b: {  	_ =	strace s8  }
0x9c: {  	_ =	strace $0x8FFFFFFF  }
0x9d: {  	s19 =	sld [smem:$0x3FDB];
	_ =	sdelay $0x1  }
0x9e: {  	s9 =	simm.s32 $_scs_section_size  }
0x9f: {  	s10 =	simm.s32 $_size__tile_overlayer_lowered;
	s11 =	simm.s32 $_tile_overlayer_lowered  }
0xa0: {  	s22 =	simm.s32 $0x1BFF;
	s21 =	sshll.u32 s11, $0x1;
	s8 =	sadd.s32 s9, s19  }
0xa1: {  	s12 =	simm.s32 $0x0;
	s20 =	sshll.u32 s10, $0x1;
	s10 =	sadd.s32 s21, s8  }
0xa2: {  	[timem:s12], [sflag:s22] =	dma.local [hbm:s10], s20  }
0xa3: {  	_ =	swait.ge [sflag:s22], s20  }
0xa4: {  	s9 =	ssub.s32 $0x0, s20;
	[sflag:s22] =	ssyncset.done $0x0  }
0xa5: {  	[sflag:s22] =	ssyncadd.s32 s9;
	_ =	sdelay $0x1  }
0xa6: {  	s23 =	simm.s32 $0x1B8B  }
0xa7: {  	_ =	swait.ge [sflag:s23], $0x1  }
0xa8: {  	[sflag:s23] =	ssyncset.done $0x0  }
0xa9: {  	s25 =	simm.s32 $0x1B8E;
	s24 =	sld [smem:$0x3FFE];
	[sflag:s23] =	ssyncadd.s32 $0xFFFFFFFF  }
0xaa: {  	s26 =	simm.s32 $execute0_lowered;
	[smem:$0x3FD2] =	sst s25  }
0xab: {  	s10 =	sshll.u32 s26, $0x1;
	_ =	strace $0x80000046;
	[dreg:$0x1] =	wrdreg $0xFFFFFFFF  }
0xac: {  	s28 =	simm.s32 $_size_execute0_lowered;
	s8 =	sadd.s32 s8, s10;
	[dreg:$0x0] =	wrdreg $0x0  }
0xad: {  	s10 =	sshll.u32 s28, $0x1;
	[dreg:$0x2] =	wrdreg s8  }
0xae: {  	[dreg:$0x3] =	wrdreg s10  }
0xaf: {  	[dreg:$0x4] =	wrdreg $0xC0  }
0xb0: {  	_ =	task [dreg:s12], $0x5FFFF  }
0xb1: {  	[dreg:$0x1] =	wrdreg $0xFFFFFFFF  }
0xb2: {  	[dreg:$0x0] =	wrdreg $0x60  }
0xb3: {  	[dreg:$0x2] =	wrdreg s2  }
0xb4: {  	[dreg:$0x3] =	wrdreg s18  }
0xb5: {  	[dreg:$0x4] =	wrdreg s24  }
0xb6: {  	[dreg:$0x5] =	wrdreg s4  }
0xb7: {  	[dreg:$0x6] =	wrdreg s5  }
0xb8: {  	[dreg:$0x7] =	wrdreg s6  }
0xb9: {  	[dreg:$0x8] =	wrdreg s7  }
0xba: {  	[dreg:$0x9] =	wrdreg $0x9  }
0xbb: {  	_ =	task.clear_ibuf [dreg:s12], $0xAFFFF;
	_ =	strace $0x90000046  }
0xbc: {  	s29 =	simm.s32 $0x9;
	_ =	strace $0x80000048  }
0xbd: {  	_ =	swait.ge [sflag:s29], $0x1  }
0xbe: {  	[sflag:s29] =	ssyncadd.s32 $0xFFFFFFFF  }
0xbf: {  	_ =	strace $0x90000048  }
0xc0: {  	_ =	sfence  }
0xc1: {  	s30 =	sld [smem:$0x0];
	_ =	sdelay $0x2  }
0xc2: {  	s31 =	sshll.u32 s1, $0xD;
	s1 =	sshrl.u32 s1, $0x2  }
0xc3: {  	s3 =	sand.u32 $0x4000, s31;
	s1 =	sadd.s32 s1, s30  }
0xc4: {  	s0 =	sor.u32 s3, s0;
	s1 =	sshll.u32 s1, $0x11  }
0xc5: {  	s0 =	sor.u32 s1, s0  }
0xc6: {  	s0 =	sadd.s32 $0x8F2B, s0  }
0xc7: {  	[sflag:s0] =	ssyncadd.remote.s32 $0x1  }
0xc8: {  	_ =	sfence.sel $0xFFFF  }
0xc9: {  	[dreg:$0x0] =	wrdreg $0xFFFFFFFF;
	(pc) =	sbr.abs _section_cstart, $3  }
0xca: {  	[dreg:$0x1] =	wrdreg $0xFFFFFFFF  }
0xcb: {  	_ =	task.clear_ibuf [dreg:s12], $0x2FFFF;
	_ =	strace $0x9FFFFFFF  }
0xcc: {  	(tm) =	ssettm $0x7FFFFFFF  }
0xcd: {  	_ =	shalt  }
tec
execute0_lowered:
.L_overlay_start_1:
0x0: {  	(tag) =	ssettag $0x1  }
0x1: {  	s0 =	rddreg [dreg:$0x0]  }
0x2: {  	s1 =	rddreg [dreg:$0x1]  }
0x3: {  	s5 =	rddreg [dreg:$0x2]  }
0x4: {  	s2 =	rddreg [dreg:$0x4]  }
0x5: {  	s3 =	rddreg [dreg:$0x5]  }
0x6: {  	s8 =	rddreg [dreg:$0x6]  }
0x7: {  	s4 =	simm.s32 $0x0;
	s7 =	srdreg.scid;
	s12 =	stileid.u32  }
0x8: {  	s13 =	simm.s32 $0x200;
	s15 =	simm.s32 $0x80;
	s22 =	simm.s32 $0x10500  }
0x9: {  	s23 =	simm.s32 $0x300;
	s28 =	simm.s32 $0x380;
	s29 =	simm.s32 $0x10780  }
0xa: {  	s30 =	simm.s32 $0x2;
	s31 =	simm.s32 $0x1;
	s14 =	simm.s32 $0x0  }
0xb: {  	[smem:$0x7FF] =	sst s4;
	s6 =	sadd.s32 $0x400, s5;
	s9 =	sand.u32 $0x1, s7  }
0xc: {  	s7 =	sadd.s32 $0xF42800, s5;
	s10 =	sshll.u32 s12, $0x1;
	s25 =	sshll.u32 s12, $0x7  }
0xd: {  	s12 =	simm.s32 $0x3;
	_ =	strace $0x80000047;
	s24 =	ssub.s32 $0x2, s9  }
0xe: {  	s9 =	sor.u32 s9, s10;
	s10 =	sand.u32 $0x600, s25;
	s25 =	simm.s32 $0x180  }
0xf: {  	s11 =	sshrl.u32 s24, $0x1;
	s26 =	sshll.u32 s9, $0x4;
	s9 =	sshll.u32 s9, $0x6  }
0x10: {  	s10 =	sadd.s32 s8, s10;
	s5 =	ssub.s32 s24, s11;
	s11 =	sand.u32 $0x70, s26  }
0x11: {  	s8 =	sadd.s32 s0, s9;
	s9 =	sadd.s32 s1, s9;
	s24 =	simm.s32 $0x10700  }
0x12: {  	v0 =	vlaneseq.u32;
	s26 =	simm.s32 $0x10580;
	s0 =	simm.s32 $0x400;
	s1 =	simm.s32 $0x10880  }
0x13: {  	v1 =	vmul.u32 $0x400, v0;
	s10 =	sadd.s32 s11, s10;
	s11 =	smax.u32 s5, $0x1;
	s5 =	simm.s32 $0x8400  }
.LBB2_1:
0x14: {  	[tilespmem:s4], [sflag:$0x3] =	stream.linear.gather [hbm4b:s8+s4], $0x200, $0x38;
	[tilespmem:$0x10A80] =	vst v63  }
0x15: {  	_ =	swait.ge [sflag:s12], $0x200  }
0x16: {  	[sflag:s12] =	ssyncset.done $0x0  }
0x17: {  	[sflag:s12] =	ssyncadd.s32 $0xFFFFFE00  }
0x18: {  	[tilespmem:s13], [sflag:$0x3] =	stream.linear.gather [hbm4b:s9+s4], $0x200, $0x38;
	[tilespmem:$0x10A80] =	vst v63  }
0x19: {  	_ =	swait.ge [sflag:s12], $0x200  }
0x1a: {  	[sflag:s12] =	ssyncset.done $0x0  }
0x1b: {  	[sflag:s12] =	ssyncadd.s32 $0xFFFFFE00  }
0x1c: {  	s17 =	simm.s32 $0x10800;
	s16 =	rddreg [dreg:$0x3]  }
0x1d: {  	[tilespmem:s17], [sflag:$0x3] =	stream.linear.gather [hbm4b:s16+s4], $0x80, $0x38;
	[tilespmem:$0x10A80] =	vst v63  }
0x1e: {  	_ =	swait.ge [sflag:s12], $0x80  }
0x1f: {  	[sflag:s12] =	ssyncset.done $0x0  }
0x20: {  	s21 =	simm.s32 $0x10400;
	[sflag:s12] =	ssyncadd.s32 $0xFFFFFF80  }
0x21: {  	[tilespmem:s21], [sflag:$0x2] =	stream.indirect.gather [hbm4b:s2+s15], $0x1, s4, s15, $0xb8;
	[tilespmem:$0x10A80] =	vst v63  }
0x22: {  	s17 =	simm.s32 $0x10600  }
0x23: {  	[tilespmem:s17], [sflag:$0x2] =	stream.indirect.gather [hbm4b:s3+s15], $0x1, s13, s15, $0xb8;
	[tilespmem:$0x10A80] =	vst v63  }
0x24: {  	s18 =	simm.s32 $0x10480  }
0x25: {  	[tilespmem:s18], [sflag:$0x2] =	stream.indirect.gather [hbm4b:s2+s15], $0x1, s15, s15, $0xb8;
	[tilespmem:$0x10A80] =	vst v63  }
0x26: {  	s19 =	simm.s32 $0x280;
	s20 =	simm.s32 $0x10680  }
0x27: {  	[tilespmem:s20], [sflag:$0x2] =	stream.indirect.gather [hbm4b:s3+s15], $0x1, s19, s15, $0xb8;
	[tilespmem:$0x10A80] =	vst v63  }
0x28: {  	s21 =	simm.s32 $0x100  }
0x29: {  	[tilespmem:s22], [sflag:$0x2] =	stream.indirect.gather [hbm4b:s2+s15], $0x1, s21, s15, $0xb8;
	[tilespmem:$0x10A80] =	vst v63  }
0x2a: {  	_ = 	snop  }
0x2b: {  	[tilespmem:s24], [sflag:$0x2] =	stream.indirect.gather [hbm4b:s3+s15], $0x1, s23, s15, $0xb8;
	[tilespmem:$0x10A80] =	vst v63  }
0x2c: {  	_ = 	snop  }
0x2d: {  	[tilespmem:s26], [sflag:$0x2] =	stream.indirect.gather [hbm4b:s2+s15], $0x1, s25, s15, $0xb8;
	[tilespmem:$0x10A80] =	vst v63  }
0x2e: {  	_ = 	snop  }
0x2f: {  	[tilespmem:s29], [sflag:$0x2] =	stream.indirect.gather [hbm4b:s3+s15], $0x1, s28, s15, $0xb8;
	[tilespmem:$0x10A80] =	vst v63  }
0x30: {  	_ =	swait.ge [sflag:s30], $0x80  }
0x31: {  	[sflag:s30] =	ssyncset.done $0x0  }
0x32: {  	[sflag:s30] =	ssyncadd.s32 $0xFFFFFF80  }
0x33: {  	_ =	swait.ge [sflag:s30], $0x80  }
0x34: {  	[sflag:s30] =	ssyncset.done $0x0  }
0x35: {  	[sflag:s30] =	ssyncadd.s32 $0xFFFFFF80  }
0x36: {  	_ =	swait.ge [sflag:s30], $0x80  }
0x37: {  	[sflag:s30] =	ssyncset.done $0x0  }
0x38: {  	[sflag:s30] =	ssyncadd.s32 $0xFFFFFF80  }
0x39: {  	_ =	swait.ge [sflag:s30], $0x80  }
0x3a: {  	[sflag:s30] =	ssyncset.done $0x0  }
0x3b: {  	[sflag:s30] =	ssyncadd.s32 $0xFFFFFF80  }
0x3c: {  	_ =	swait.ge [sflag:s30], $0x80  }
0x3d: {  	[sflag:s30] =	ssyncset.done $0x0  }
0x3e: {  	[sflag:s30] =	ssyncadd.s32 $0xFFFFFF80  }
0x3f: {  	_ =	swait.ge [sflag:s30], $0x80  }
0x40: {  	[sflag:s30] =	ssyncset.done $0x0  }
0x41: {  	[sflag:s30] =	ssyncadd.s32 $0xFFFFFF80  }
0x42: {  	_ =	swait.ge [sflag:s30], $0x80  }
0x43: {  	[sflag:s30] =	ssyncset.done $0x0  }
0x44: {  	[sflag:s30] =	ssyncadd.s32 $0xFFFFFF80  }
0x45: {  	_ =	swait.ge [sflag:s30], $0x80  }
0x46: {  	[sflag:s30] =	ssyncset.done $0x0  }
0x47: {  	[sflag:s30] =	ssyncadd.s32 $0xFFFFFF80  }
0x48: {  	s16 =	simm.s32 $0x0;
	v2 =	vld [tilespmem:$0x10800]  }
.LBB2_2:
0x49: {  	s17 =	sshll.u32 s16, $0x5;
	s18 =	simm.s32 $0x0;
	p0 =	por $0x1, $0x1  }
.LBB2_3:
0x4a: {  	s19 =	sshll.u32 s18, $0x4  }
0x4b: {  	s19 =	sor.u32 s17, s19  }
0x4c: {  	v3 =	vld [tilespmem:s19+$0x0];
	_ =	sdelay $0x2  }
0x4d: {  	v5 =	vld [tilespmem:s19+$0x200];
	_ =	sdelay $0x1  }
0x4e: {  	v3 =	vshrl.u32 v3, $0x3  }
0x4f: {  	v4 =	vshll.u32 v3, $0x7  }
0x50: {  	(v2sf) =	vpush v4, $0x0  }
0x51: {  	v3 =	vand.u32 $0xFFFFFFF8, v5  }
0x52: {  	v3 =	vshll.u32 v3, $0x4  }
0x53: {  	v3 =	vadd.s32 s7, v3  }
0x54: {  	(v2sf) =	vpush v3, $0x0;
	_ =	sdelay $0x1  }
0x55: {  	(v2sf) =	vpush v4, $0x1;
	_ =	sdelay $0x3  }
0x56: {  	(v2sf) =	vpush v3, $0x1;
	_ =	sdelay $0x1  }
0x57: {  	(v2sf) =	vpush v4, $0x2;
	_ =	sdelay $0x2  }
0x58: {  	s21 =	spop (v2sf)  }
0x59: {  	s18 =	sshll.u32 s18, $0xE;
	(v2sf) =	vpush v3, $0x2;
	s19 =	sand.u32 $0x1FFFFF80, s21  }
0x5a: {  	s20 =	sor.u32 $0x400, s18;
	s19 =	sadd.s32 s6, s19  }
0x5b: {  	(v2sf) =	vpush v4, $0x3;
	[tilespmem:s20], [sflag:$0x1] =	stream.linear.gather [hbm4b:s19+s4], $0x400, $0x38;
	[tilespmem:$0x10A80] =	vst v63  }
0x5c: {  	s21 =	spop (v2sf);
	s20 =	sadd.s32 $0x8400, s18  }
0x5d: {  	[tilespmem:s20], [sflag:$0x1] =	stream.linear.gather [hbm4b:s21+s4], $0x400, $0x38;
	[tilespmem:$0x10A80] =	vst v63  }
0x5e: {  	s20 =	spop (v2sf)  }
0x5f: {  	(v2sf) =	vpush v3, $0x3;
	s19 =	sand.u32 $0x1FFFFF80, s20  }
0x60: {  	s21 =	sor.u32 $0x800, s18;
	s19 =	sadd.s32 s6, s19  }
0x61: {  	(v2sf) =	vpush v4, $0x4;
	[tilespmem:s21], [sflag:$0x1] =	stream.linear.gather [hbm4b:s19+s4], $0x400, $0x38;
	[tilespmem:$0x10A80] =	vst v63  }
0x62: {  	s20 =	sadd.s32 $0x8800, s18;
	s21 =	spop (v2sf)  }
0x63: {  	[tilespmem:s20], [sflag:$0x1] =	stream.linear.gather [hbm4b:s21+s4], $0x400, $0x38;
	[tilespmem:$0x10A80] =	vst v63  }
0x64: {  	s20 =	spop (v2sf)  }
0x65: {  	(v2sf) =	vpush v3, $0x4;
	s19 =	sand.u32 $0x1FFFFF80, s20  }
0x66: {  	s21 =	sor.u32 $0xC00, s18;
	s19 =	sadd.s32 s6, s19  }
0x67: {  	(v2sf) =	vpush v4, $0x5;
	[tilespmem:s21], [sflag:$0x1] =	stream.linear.gather [hbm4b:s19+s4], $0x400, $0x38;
	[tilespmem:$0x10A80] =	vst v63  }
0x68: {  	s20 =	sadd.s32 $0x8C00, s18;
	s21 =	spop (v2sf)  }
0x69: {  	[tilespmem:s20], [sflag:$0x1] =	stream.linear.gather [hbm4b:s21+s4], $0x400, $0x38;
	[tilespmem:$0x10A80] =	vst v63  }
0x6a: {  	s20 =	spop (v2sf)  }
0x6b: {  	(v2sf) =	vpush v3, $0x5;
	s19 =	sand.u32 $0x1FFFFF80, s20  }
0x6c: {  	s21 =	sor.u32 $0x1000, s18;
	s19 =	sadd.s32 s6, s19  }
0x6d: {  	(v2sf) =	vpush v4, $0x6;
	[tilespmem:s21], [sflag:$0x1] =	stream.linear.gather [hbm4b:s19+s4], $0x400, $0x38;
	[tilespmem:$0x10A80] =	vst v63  }
0x6e: {  	s20 =	sadd.s32 $0x9000, s18;
	s21 =	spop (v2sf)  }
0x6f: {  	[tilespmem:s20], [sflag:$0x1] =	stream.linear.gather [hbm4b:s21+s4], $0x400, $0x38;
	[tilespmem:$0x10A80] =	vst v63  }
0x70: {  	s20 =	spop (v2sf)  }
0x71: {  	(v2sf) =	vpush v3, $0x6;
	s19 =	sand.u32 $0x1FFFFF80, s20  }
0x72: {  	s21 =	sor.u32 $0x1400, s18;
	s19 =	sadd.s32 s6, s19  }
0x73: {  	(v2sf) =	vpush v4, $0x7;
	[tilespmem:s21], [sflag:$0x1] =	stream.linear.gather [hbm4b:s19+s4], $0x400, $0x38;
	[tilespmem:$0x10A80] =	vst v63  }
0x74: {  	s20 =	sadd.s32 $0x9400, s18;
	s21 =	spop (v2sf)  }
0x75: {  	[tilespmem:s20], [sflag:$0x1] =	stream.linear.gather [hbm4b:s21+s4], $0x400, $0x38;
	[tilespmem:$0x10A80] =	vst v63  }
0x76: {  	s20 =	spop (v2sf)  }
0x77: {  	(v2sf) =	vpush v3, $0x7;
	s19 =	sand.u32 $0x1FFFFF80, s20  }
0x78: {  	s21 =	sor.u32 $0x1800, s18;
	s19 =	sadd.s32 s6, s19  }
0x79: {  	(v2sf) =	vpush v4, $0x8;
	[tilespmem:s21], [sflag:$0x1] =	stream.linear.gather [hbm4b:s19+s4], $0x400, $0x38;
	[tilespmem:$0x10A80] =	vst v63  }
0x7a: {  	s20 =	sadd.s32 $0x9800, s18;
	s21 =	spop (v2sf)  }
0x7b: {  	[tilespmem:s20], [sflag:$0x1] =	stream.linear.gather [hbm4b:s21+s4], $0x400, $0x38;
	[tilespmem:$0x10A80] =	vst v63  }
0x7c: {  	s20 =	spop (v2sf)  }
0x7d: {  	(v2sf) =	vpush v3, $0x8;
	s19 =	sand.u32 $0x1FFFFF80, s20  }
0x7e: {  	s21 =	sor.u32 $0x1C00, s18;
	s19 =	sadd.s32 s6, s19  }
0x7f: {  	(v2sf) =	vpush v4, $0x9;
	[tilespmem:s21], [sflag:$0x1] =	stream.linear.gather [hbm4b:s19+s4], $0x400, $0x38;
	[tilespmem:$0x10A80] =	vst v63  }
0x80: {  	s20 =	sadd.s32 $0x9C00, s18;
	s21 =	spop (v2sf)  }
0x81: {  	[tilespmem:s20], [sflag:$0x1] =	stream.linear.gather [hbm4b:s21+s4], $0x400, $0x38;
	[tilespmem:$0x10A80] =	vst v63  }
0x82: {  	s20 =	spop (v2sf)  }
0x83: {  	(v2sf) =	vpush v3, $0x9;
	s19 =	sand.u32 $0x1FFFFF80, s20  }
0x84: {  	s21 =	sor.u32 $0x2000, s18;
	s19 =	sadd.s32 s6, s19  }
0x85: {  	(v2sf) =	vpush v4, $0xA;
	[tilespmem:s21], [sflag:$0x1] =	stream.linear.gather [hbm4b:s19+s4], $0x400, $0x38;
	[tilespmem:$0x10A80] =	vst v63  }
0x86: {  	s20 =	sadd.s32 $0xA000, s18;
	s21 =	spop (v2sf)  }
0x87: {  	[tilespmem:s20], [sflag:$0x1] =	stream.linear.gather [hbm4b:s21+s4], $0x400, $0x38;
	[tilespmem:$0x10A80] =	vst v63  }
0x88: {  	s20 =	spop (v2sf)  }
0x89: {  	(v2sf) =	vpush v3, $0xA;
	s19 =	sand.u32 $0x1FFFFF80, s20  }
0x8a: {  	s21 =	sor.u32 $0x2400, s18;
	s19 =	sadd.s32 s6, s19  }
0x8b: {  	(v2sf) =	vpush v4, $0xB;
	[tilespmem:s21], [sflag:$0x1] =	stream.linear.gather [hbm4b:s19+s4], $0x400, $0x38;
	[tilespmem:$0x10A80] =	vst v63  }
0x8c: {  	s20 =	sadd.s32 $0xA400, s18;
	s21 =	spop (v2sf)  }
0x8d: {  	[tilespmem:s20], [sflag:$0x1] =	stream.linear.gather [hbm4b:s21+s4], $0x400, $0x38;
	[tilespmem:$0x10A80] =	vst v63  }
0x8e: {  	s20 =	spop (v2sf)  }
0x8f: {  	(v2sf) =	vpush v3, $0xB;
	s19 =	sand.u32 $0x1FFFFF80, s20  }
0x90: {  	s21 =	sor.u32 $0x2800, s18;
	s19 =	sadd.s32 s6, s19  }
0x91: {  	(v2sf) =	vpush v4, $0xC;
	[tilespmem:s21], [sflag:$0x1] =	stream.linear.gather [hbm4b:s19+s4], $0x400, $0x38;
	[tilespmem:$0x10A80] =	vst v63  }
0x92: {  	s20 =	sadd.s32 $0xA800, s18;
	s21 =	spop (v2sf)  }
0x93: {  	[tilespmem:s20], [sflag:$0x1] =	stream.linear.gather [hbm4b:s21+s4], $0x400, $0x38;
	[tilespmem:$0x10A80] =	vst v63  }
0x94: {  	s20 =	spop (v2sf)  }
0x95: {  	(v2sf) =	vpush v3, $0xC;
	s19 =	sand.u32 $0x1FFFFF80, s20  }
0x96: {  	s21 =	sor.u32 $0x2C00, s18;
	s19 =	sadd.s32 s6, s19  }
0x97: {  	(v2sf) =	vpush v4, $0xD;
	[tilespmem:s21], [sflag:$0x1] =	stream.linear.gather [hbm4b:s19+s4], $0x400, $0x38;
	[tilespmem:$0x10A80] =	vst v63  }
0x98: {  	s20 =	sadd.s32 $0xAC00, s18;
	s21 =	spop (v2sf)  }
0x99: {  	[tilespmem:s20], [sflag:$0x1] =	stream.linear.gather [hbm4b:s21+s4], $0x400, $0x38;
	[tilespmem:$0x10A80] =	vst v63  }
0x9a: {  	s20 =	spop (v2sf)  }
0x9b: {  	(v2sf) =	vpush v3, $0xD;
	s19 =	sand.u32 $0x1FFFFF80, s20  }
0x9c: {  	s21 =	sor.u32 $0x3000, s18;
	s19 =	sadd.s32 s6, s19  }
0x9d: {  	(v2sf) =	vpush v4, $0xE;
	[tilespmem:s21], [sflag:$0x1] =	stream.linear.gather [hbm4b:s19+s4], $0x400, $0x38;
	[tilespmem:$0x10A80] =	vst v63  }
0x9e: {  	s20 =	sadd.s32 $0xB000, s18;
	s21 =	spop (v2sf)  }
0x9f: {  	[tilespmem:s20], [sflag:$0x1] =	stream.linear.gather [hbm4b:s21+s4], $0x400, $0x38;
	[tilespmem:$0x10A80] =	vst v63  }
0xa0: {  	s20 =	spop (v2sf)  }
0xa1: {  	(v2sf) =	vpush v3, $0xE;
	s19 =	sand.u32 $0x1FFFFF80, s20  }
0xa2: {  	s21 =	sor.u32 $0x3400, s18;
	s19 =	sadd.s32 s6, s19  }
0xa3: {  	(v2sf) =	vpush v4, $0xF;
	[tilespmem:s21], [sflag:$0x1] =	stream.linear.gather [hbm4b:s19+s4], $0x400, $0x38;
	[tilespmem:$0x10A80] =	vst v63  }
0xa4: {  	s20 =	spop (v2sf);
	s21 =	sadd.s32 $0xB400, s18  }
0xa5: {  	[tilespmem:s21], [sflag:$0x1] =	stream.linear.gather [hbm4b:s20+s4], $0x400, $0x38;
	[tilespmem:$0x10A80] =	vst v63  }
0xa6: {  	s20 =	spop (v2sf)  }
0xa7: {  	(v2sf) =	vpush v3, $0xF;
	s19 =	sand.u32 $0x1FFFFF80, s20  }
0xa8: {  	s21 =	sor.u32 $0x3800, s18;
	s19 =	sadd.s32 s6, s19  }
0xa9: {  	[tilespmem:s21], [sflag:$0x1] =	stream.linear.gather [hbm4b:s19+s4], $0x400, $0x38;
	[tilespmem:$0x10A80] =	vst v63  }
0xaa: {  	s20 =	spop (v2sf);
	s21 =	sadd.s32 $0xB800, s18  }
0xab: {  	[tilespmem:s21], [sflag:$0x1] =	stream.linear.gather [hbm4b:s20+s4], $0x400, $0x38;
	[tilespmem:$0x10A80] =	vst v63  }
0xac: {  	s20 =	spop (v2sf)  }
0xad: {  	s19 =	sand.u32 $0x1FFFFF80, s20  }
0xae: {  	s21 =	sor.u32 $0x3C00, s18;
	s19 =	sadd.s32 s6, s19  }
0xaf: {  	[tilespmem:s21], [sflag:$0x1] =	stream.linear.gather [hbm4b:s19+s4], $0x400, $0x38;
	[tilespmem:$0x10A80] =	vst v63  }
0xb0: {  	s21 =	sadd.s32 $0xBC00, s18;
	s20 =	spop (v2sf)  }
0xb1: {  	[tilespmem:s21], [sflag:$0x1] =	stream.linear.gather [hbm4b:s20+s4], $0x400, $0x38;
	[tilespmem:$0x10A80] =	vst v63  }
0xb2: {  	s20 =	spop (v2sf)  }
0xb3: {  	p1 =	por p0, p0;
	s19 =	sand.u32 $0x1FFFFF80, s20  }
.Ltmp0:
0xb4: {  	s21 =	sadd.s32 $0x4000, s18;
	s19 =	sadd.s32 s6, s19;
	(pc) =	sbr.rel @p1 .LBB2_3-.Ltmp0, $4  }
0xb5: {  	[tilespmem:s21], [sflag:$0x1] =	stream.linear.gather [hbm4b:s19+s4], $0x400, $0x38;
	[tilespmem:$0x10A80] =	vst v63  }
0xb6: {  	s18 =	sadd.s32 $0xC000, s18;
	s21 =	spop (v2sf)  }
0xb7: {  	[tilespmem:s18], [sflag:$0x1] =	stream.linear.gather [hbm4b:s21+s4], $0x400, $0x38;
	[tilespmem:$0x10A80] =	vst v63  }
0xb8: {  	p0 =	por $0x0, $0x0;
	s18 =	simm.s32 $0x1  }
0xb9: {  	_ =	swait.ge [sflag:s31], $0x8000  }
0xba: {  	[sflag:s31] =	ssyncset.done $0x0  }
0xbb: {  	[sflag:s31] =	ssyncadd.s32 $0xFFFF8000  }
0xbc: {  	_ =	swait.ge [sflag:s31], $0x8000  }
0xbd: {  	s18 =	simm.s32 $0x0;
	[sflag:s31] =	ssyncset.done $0x0  }
0xbe: {  	p1 =	por $0x1, $0x1;
	s20 =	simm.s32 $0x0;
	[sflag:s31] =	ssyncadd.s32 $0xFFFF8000  }
.LBB2_5:
0xbf: {  	s19 =	sor.u32 s17, s20  }
0xc0: {  	v3 =	vld [tilespmem:s19+$0x0]  }
0xc1: {  	v4 =	vld [tilespmem:s19+$0x200];
	_ =	sdelay $0x2  }
0xc2: {  	v5 =	vmov s20;
	v6 =	vadd.s32 s18, v0  }
0xc3: {  	v5 =	vshll.u32 v5, $0xA;
	v6 =	vand.u32 $0xF, v6;
	v3 =	vshll.u32 v3, $0x7  }
0xc4: {  	s21 =	sand.u32 $0x30, s18;
	v7 =	vld [tilespmem:s19+$0x10400];
	v5 =	vor.u32 v1, v5;
	v4 =	vshll.u32 v4, $0x7;
	v3 =	vand.u32 $0x380, v3  }
0xc5: {  	v6 =	vor.u32 s21, v6;
	v4 =	vand.u32 $0x380, v4;
	v3 =	vor.u32 v3, v5  }
0xc6: {  	v8 =	vld [tilespmem:s19+$0x10600];
	v4 =	vor.u32 v4, v5;
	v5 =	vor.u32 v3, v6  }
0xc7: {  	s21 =	simm.s32 $0x1;
	v9 =	vor.u32 v4, v6  }
0xc8: {  	v6 =	vadd.s32 s21, v0  }
0xc9: {  	s20 =	sand.u32 $0x30, s21;
	v7 =	vadd.f32 v7, v2;
	v6 =	vand.u32 $0xF, v6  }
0xca: {  	v10 =	vor.u32 s20, v6  }
0xcb: {  	v6 =	vadd.f32 v8, v7;
	v8 =	vor.u32 v3, v10;
	v5 =	vld.idx.msk [tilespmem:v5+s0+$0x0], $0xffff  }
0xcc: {  	v7 =	vld.idx.msk [tilespmem:v9+s5+$0x0], $0xffff;
	v9 =	vor.u32 v4, v10  }
0xcd: {  	p0 =	por p1, p1;
	s20 =	simm.s32 $0x2  }
.LBB2_6:
0xce: {  	v10 =	vadd.s32 s20, v0;
	p1 =	sne.s32 s20, $0x3F  }
.Ltmp1:
0xcf: {  	s21 =	sand.u32 $0x30, s20;
	s20 =	sadd.s32 $0x1, s20;
	v10 =	vand.u32 $0xF, v10;
	(pc) =	sbr.rel @p1 .LBB2_6-.Ltmp1, $4  }
0xd0: {  	v11 =	vmov v5;
	v10 =	vor.u32 s21, v10;
	v5 =	vld.idx.msk [tilespmem:v8+s0+$0x0], $0xffff  }
0xd1: {  	v11 =	vmul.f32 v7, v11;
	v8 =	vor.u32 v3, v10;
	v7 =	vld.idx.msk [tilespmem:v9+s5+$0x0], $0xffff  }
0xd2: {  	v9 =	vor.u32 v4, v10  }
0xd3: {  	v6 =	vadd.f32 v11, v6  }
0xd4: {  	_ =	sdelay $0x3  }
0xd5: {  	v3 =	vld.idx.msk [tilespmem:v8+s0+$0x0], $0xffff  }
0xd6: {  	v4 =	vld.idx.msk [tilespmem:v9+s5+$0x0], $0xffff;
	_ =	sdelay $0x2  }
0xd7: {  	v5 =	vmul.f32 v7, v5;
	_ =	sdelay $0x1  }
.Ltmp2:
0xd8: {  	v5 =	vadd.f32 v5, v6;
	v3 =	vmul.f32 v4, v3;
	(pc) =	sbr.rel @p0 .LBB2_5-.Ltmp2, $3  }
0xd9: {  	_ = 	snop  }
0xda: {  	v3 =	vadd.f32 v3, v5;
	_ =	sdelay $0x1  }
0xdb: {  	s20 =	simm.s32 $0x10;
	p1 =	por $0x0, $0x0;
	[tilespmem:s19+$0x10880] =	vst v3  }
0xdc: {  	s16 =	sadd.s32 $0x1, s16  }
0xdd: {  	p0 =	sne.s32 s16, $0x10  }
.Ltmp3:
0xde: {  	_ = 	snop;
	(pc) =	sbr.rel @p0 .LBB2_2-.Ltmp3, $1  }
0xdf: {  	_ =	sdelay $0x3  }
0xe0: {  	s14 =	sadd.s32 $0x1, s14  }
0xe1: {  	p0 =	sne.s32 s14, s11  }
.Ltmp4:
0xe2: {  	_ = 	snop;
	(pc) =	sbr.rel @p0 .LBB2_1-.Ltmp4, $4  }
0xe3: {  	[hbm4b:s10+s15] =	stream.strided.scatter [tilespmem:s1], [sflag:$0x3], $0x200, s0, s15, $0x38;
	[tilespmem:$0x10A80] =	vst v63  }
0xe4: {  	_ =	swait.ge [sflag:s12], $0x200  }
0xe5: {  	[sflag:s12] =	ssyncset.done $0x0  }
0xe6: {  	[sflag:s12] =	ssyncadd.s32 $0xFFFFFE00  }
0xe7: {  	_ =	sfence.sel $0x180000  }
0xe8: {  	[bflag:$0x0] =	sbarrier.arrive $0xFFFF  }
0xe9: {  	_ =	strace $0x90000047  }
0xea: {  	s0 =	stileid.u32;
	[bflag:$0x2] =	sbarrier.arrive $0xFFFF  }
0xeb: {  	p0 =	sne.s32 s0, $0x0;
	s0 =	rddreg [dreg:$0x7]  }
0xec: {  	s0 =	sadd.s32 @!p0 $0x100000, s0  }
0xed: {  	[sflag:s0] =	ssyncadd.tile.s32 @!p0 $0x1;
	_ =	shalt  }
.Lfunc_end2:
_tile_overlayer_lowered:
.L_overlay_start_2:
0xee: {  	(tag) =	ssettag $0x2  }
0xef: {  	s0 =	rddreg [dreg:$0x0];
	s2 =	stileid.u32  }
0xf0: {  	s1 =	rddreg [dreg:$0x1];
	p0 =	sne.s32 s2, $0x0  }
0xf1: {  	s3 =	rddreg [dreg:$0x2];
	[bflag:$0x3] =	sbarrier.arrive $0xFFFF;
	s2 =	simm.s32 @!p0 $0x1C03  }
0xf2: {  	[timem:s3], [sflag:s2] =	dma.local @!p0 [hbm:s0], s1  }
0xf3: {  	s0 =	simm.s32 @!p0 $0x3  }
0xf4: {  	_ =	swait.ge @!p0 [sflag:s0], s1  }
0xf5: {  	s1 =	ssub.s32 @!p0 $0x0, s1;
	[sflag:s0] =	ssyncset.done @!p0 $0x0  }
0xf6: {  	[sflag:s0] =	ssyncadd.s32 @!p0 s1  }
0xf7: {  	[bflag:$0x3] =	sbarrier.arrive $0xFFFF  }
0xf8: {  	_ =	shalt  }

</sc_bundles>
